<compile_context>
chip_gen: v7x
topology: tpu7x:2x2x1
jax: 0.10.2.dev20260603
libtpu: 0.0.44.dev20260713+nightly
codegen_flags: <defaults>
</compile_context>

<pallas_src>
import functools

import jax
import jax.numpy as jnp
from jax import lax
from jax.experimental import pallas as pl
from jax.experimental.pallas import tpu as pltpu
from jax.experimental.pallas import tpu_sc as plsc

N = 10000
NPAD = 10240
E = 320000
NC = 2
NS = 16
NW = NC * NS
EPW = E // NW
CHUNK = 80
NCHUNK = EPW // CHUNK
RPT = NPAD // NS
ZROWS = 128
DEGW = 16


def _sc_mesh():
    return plsc.VectorSubcoreMesh(core_axis_name="c", subcore_axis_name="s")


def _make_deg_kernel():
    @functools.partial(
        pl.kernel,
        out_type=jax.ShapeDtypeStruct((NC, NPAD, DEGW), jnp.float32),
        mesh=_sc_mesh(),
        scratch_types=[
            pltpu.VMEM((CHUNK,), jnp.int32),
            pltpu.VMEM((CHUNK, DEGW), jnp.float32),
            pltpu.VMEM((ZROWS, DEGW), jnp.float32),
            pltpu.VMEM_SHARED((NPAD, DEGW), jnp.float32),
        ],
    )
    def deg_kernel(dst_hbm, out_hbm, dst_v, ones_v, zbuf, acc):
        c = lax.axis_index("c")
        s = lax.axis_index("s")
        wid = c * NS + s

        def fill(i, _):
            zbuf[i, pl.ds(0, 16)] = jnp.zeros((16,), jnp.float32)
            return 0

        lax.fori_loop(0, ZROWS, fill, 0)

        def fill1(i, _):
            ones_v[i, pl.ds(0, 16)] = jnp.ones((16,), jnp.float32)
            return 0

        lax.fori_loop(0, CHUNK, fill1, 0)

        for j in range(RPT // ZROWS):
            pltpu.sync_copy(zbuf, acc.at[pl.ds(s * RPT + j * ZROWS, ZROWS)])
        plsc.subcore_barrier()

        base = wid * EPW

        def body(i, _):
            pltpu.sync_copy(dst_hbm.at[pl.ds(base + i * CHUNK, CHUNK)], dst_v)
            pltpu.sync_copy(ones_v, acc.at[dst_v], add=True)
            return 0

        lax.fori_loop(0, NCHUNK, body, 0)
        plsc.subcore_barrier()
        r0 = s * RPT
        pltpu.sync_copy(acc.at[pl.ds(r0, RPT)], out_hbm.at[c, pl.ds(r0, RPT)])

    return deg_kernel


def _make_edge_kernel(D):
    @functools.partial(
        pl.kernel,
        out_type=jax.ShapeDtypeStruct((NC, NPAD, D), jnp.float32),
        mesh=_sc_mesh(),
        scratch_types=[
            pltpu.VMEM((CHUNK,), jnp.int32),
            pltpu.VMEM((CHUNK,), jnp.int32),
            pltpu.VMEM((CHUNK, D), jnp.float32),
            pltpu.VMEM((ZROWS, D), jnp.float32),
            pltpu.VMEM_SHARED((NPAD, D), jnp.float32),
            pltpu.SemaphoreType.DMA,
        ],
        compiler_params=pltpu.CompilerParams(use_tc_tiling_on_sc=False),
    )
    def edge_kernel(src_hbm, dst_hbm, h_hbm, out_hbm,
                    src_v, dst_v, rows_v, zbuf, acc, sem):
        c = lax.axis_index("c")
        s = lax.axis_index("s")
        wid = c * NS + s
        lanes = D // 16

        def fill(i, _):
            zbuf[i // lanes, pl.ds((i % lanes) * 16, 16)] = (
                jnp.zeros((16,), jnp.float32))
            return 0

        lax.fori_loop(0, ZROWS * lanes, fill, 0)

        for j in range(RPT // ZROWS):
            pltpu.sync_copy(zbuf, acc.at[pl.ds(s * RPT + j * ZROWS, ZROWS)])
        plsc.subcore_barrier()

        base = wid * EPW

        def body(i, _):
            off = base + i * CHUNK
            pltpu.sync_copy(src_hbm.at[pl.ds(off, CHUNK)], src_v)
            pltpu.sync_copy(dst_hbm.at[pl.ds(off, CHUNK)], dst_v)
            pltpu.async_copy(h_hbm.at[src_v], rows_v, sem).wait()
            pltpu.sync_copy(rows_v, acc.at[dst_v], add=True)
            return 0

        lax.fori_loop(0, NCHUNK, body, 0)
        plsc.subcore_barrier()
        r0 = s * RPT
        pltpu.sync_copy(acc.at[pl.ds(r0, RPT)], out_hbm.at[c, pl.ds(r0, RPT)])

    return edge_kernel


_deg_kernel = _make_deg_kernel()
_edge_kernel_128 = _make_edge_kernel(128)
_edge_kernel_16 = _make_edge_kernel(16)

_MM_BLK = 1000


def _dis_block(da_ref, db_ref):
    deg = da_ref[:, 0:1] + db_ref[:, 0:1] + 1.0
    return lax.rsqrt(deg)


def _mm1(x, W1, degA, degB):
    def body(x_ref, w_ref, da_ref, db_ref, o_ref):
        dis = _dis_block(da_ref, db_ref)
        h = jnp.dot(x_ref[...], w_ref[...], preferred_element_type=jnp.float32)
        o_ref[...] = h * dis

    return pl.pallas_call(
        body,
        grid=(N // _MM_BLK,),
        in_specs=[
            pl.BlockSpec((_MM_BLK, 128), lambda i: (i, 0)),
            pl.BlockSpec((128, 128), lambda i: (0, 0)),
            pl.BlockSpec((_MM_BLK, DEGW), lambda i: (i, 0)),
            pl.BlockSpec((_MM_BLK, DEGW), lambda i: (i, 0)),
        ],
        out_specs=pl.BlockSpec((_MM_BLK, 128), lambda i: (i, 0)),
        out_shape=jax.ShapeDtypeStruct((N, 128), jnp.float32),
    )(x, W1, degA, degB)


def _mm2(aggA, aggB, h1s, degA, degB, b1, W2):
    def body(aa_ref, ab_ref, hs_ref, da_ref, db_ref, b_ref, w_ref, o_ref):
        dis = _dis_block(da_ref, db_ref)
        z = (aa_ref[...] + ab_ref[...] + hs_ref[...]) * dis + b_ref[...]
        z = jnp.maximum(z, 0.0)
        h2 = jnp.dot(z, w_ref[...], preferred_element_type=jnp.float32)
        o_ref[...] = h2 * dis

    return pl.pallas_call(
        body,
        grid=(N // _MM_BLK,),
        in_specs=[
            pl.BlockSpec((_MM_BLK, 128), lambda i: (i, 0)),
            pl.BlockSpec((_MM_BLK, 128), lambda i: (i, 0)),
            pl.BlockSpec((_MM_BLK, 128), lambda i: (i, 0)),
            pl.BlockSpec((_MM_BLK, DEGW), lambda i: (i, 0)),
            pl.BlockSpec((_MM_BLK, DEGW), lambda i: (i, 0)),
            pl.BlockSpec((1, 128), lambda i: (0, 0)),
            pl.BlockSpec((128, 16), lambda i: (0, 0)),
        ],
        out_specs=pl.BlockSpec((_MM_BLK, 16), lambda i: (i, 0)),
        out_shape=jax.ShapeDtypeStruct((N, 16), jnp.float32),
    )(aggA, aggB, h1s, degA, degB, b1, W2)


def _mm3(aggA, aggB, h2s, degA, degB, b2, Wl, bl):
    def body(aa_ref, ab_ref, hs_ref, da_ref, db_ref, b_ref, w_ref, bl_ref,
             o_ref):
        dis = _dis_block(da_ref, db_ref)
        z = (aa_ref[...] + ab_ref[...] + hs_ref[...]) * dis + b_ref[...]
        z = jnp.maximum(z, 0.0)
        o_ref[...] = (
            jnp.dot(z, w_ref[...], preferred_element_type=jnp.float32)
            + bl_ref[...])

    return pl.pallas_call(
        body,
        grid=(N // _MM_BLK,),
        in_specs=[
            pl.BlockSpec((_MM_BLK, 16), lambda i: (i, 0)),
            pl.BlockSpec((_MM_BLK, 16), lambda i: (i, 0)),
            pl.BlockSpec((_MM_BLK, 16), lambda i: (i, 0)),
            pl.BlockSpec((_MM_BLK, DEGW), lambda i: (i, 0)),
            pl.BlockSpec((_MM_BLK, DEGW), lambda i: (i, 0)),
            pl.BlockSpec((1, 16), lambda i: (0, 0)),
            pl.BlockSpec((16, 9), lambda i: (0, 0)),
            pl.BlockSpec((1, 9), lambda i: (0, 0)),
        ],
        out_specs=pl.BlockSpec((_MM_BLK, 9), lambda i: (i, 0)),
        out_shape=jax.ShapeDtypeStruct((N, 9), jnp.float32),
    )(aggA, aggB, h2s, degA, degB, b2, Wl, bl)


def kernel(x, edge_index, W1, b1, W2, b2, Wl, bl):
    ei = edge_index.astype(jnp.int32)
    src = ei[0]
    dst = ei[1]

    degp = _deg_kernel(dst)
    degA, degB = degp[0], degp[1]

    h1s = _mm1(x, W1, degA, degB)
    agg1 = _edge_kernel_128(src, dst, h1s)
    h2s = _mm2(agg1[0], agg1[1], h1s, degA, degB, b1.reshape(1, -1), W2)
    agg2 = _edge_kernel_16(src, dst, h2s)
    out = _mm3(agg2[0], agg2[1], h2s, degA, degB, b2.reshape(1, -1), Wl,
               bl.reshape(1, -1))
    return out

# --- scband reference (transcript-rebuilt; emitter-appended) ---
"""Pipeline reference for scband-rock-facies-classifier-11914239279182 (READ-ONLY COPY).

The authoritative reference and input builder live on the scoring server;
editing this copy changes nothing except your own understanding.
"""

import jax, jax.numpy as jnp
import numpy as np

NUM_NODES = 10000
NUM_EDGES = 320000
NUM_FEATURES = 128
HIDDEN1 = 128
HIDDEN2 = 16
NUM_CLASSES = 9


def gcn_conv(x, edge_index, W, b):
    # Faithful GCNConv (PyG defaults): h = x @ W; add self-loops; symmetric norm; scatter-add; + bias
    n = x.shape[0]
    h = x @ W
    loop = jnp.arange(n, dtype=edge_index.dtype)
    src = jnp.concatenate([edge_index[0], loop])
    dst = jnp.concatenate([edge_index[1], loop])
    ones = jnp.ones(src.shape[0], dtype=h.dtype)
    deg = jnp.zeros(n, dtype=h.dtype).at[dst].add(ones)
    deg_inv_sqrt = jnp.where(deg > 0, deg ** -0.5, 0.0)
    norm = deg_inv_sqrt[src] * deg_inv_sqrt[dst]
    msg = h[src] * norm[:, None]
    out = jnp.zeros((n, h.shape[1]), dtype=h.dtype).at[dst].add(msg)
    return out + b


def setup_inputs(seed: int = 0) -> dict:
    key = jax.random.key(seed)
    ks = jax.random.split(key, 8)
    x = jax.random.normal(ks[0], (NUM_NODES, NUM_FEATURES), dtype=jnp.float32)
    edge_index = jax.random.randint(ks[1], (2, NUM_EDGES), 0, NUM_NODES, dtype=jnp.int64)
    s1 = (1.0 / NUM_FEATURES) ** 0.5
    s2 = (1.0 / HIDDEN1) ** 0.5
    s3 = (1.0 / HIDDEN2) ** 0.5
    W1 = jax.random.uniform(ks[2], (NUM_FEATURES, HIDDEN1), jnp.float32, -s1, s1)
    b1 = jnp.zeros((HIDDEN1,), dtype=jnp.float32)
    W2 = jax.random.uniform(ks[3], (HIDDEN1, HIDDEN2), jnp.float32, -s2, s2)
    b2 = jnp.zeros((HIDDEN2,), dtype=jnp.float32)
    Wl = jax.random.uniform(ks[4], (HIDDEN2, NUM_CLASSES), jnp.float32, -s3, s3)
    bl = jax.random.uniform(ks[5], (NUM_CLASSES,), jnp.float32, -s3, s3)
    return {"x": x, "edge_index": edge_index, "W1": W1, "b1": b1, "W2": W2, "b2": b2, "Wl": Wl, "bl": bl}


def reference(x, edge_index, W1, b1, W2, b2, Wl, bl):
    h = gcn_conv(x, edge_index, W1, b1)
    h = jax.nn.relu(h)
    h = gcn_conv(h, edge_index, W2, b2)
    h = jax.nn.relu(h)
    out = h @ Wl + bl
    return out

if __name__ == "__main__":
    import jax
    _d = setup_inputs()
    print(jax.jit(kernel)(*tuple(_d.values())))

</pallas_src>

<mosaic_0001>
#map = affine_map<(d0, d1) -> (0)>
#map1 = affine_map<(d0, d1) -> (0, 0)>
#map2 = affine_map<(d0, d1) -> (0, 0, 0)>
module attributes {stable_mosaic.version = 14 : i64} {
  func.func @edge_kernel(%arg0: i32, %arg1: i32, %arg2: memref<320000xi32, #tpu.memory_space<hbm>>, %arg3: memref<320000xi32, #tpu.memory_space<hbm>>, %arg4: memref<10000x128xf32, #tpu.memory_space<hbm>>, %arg5: memref<2x10240x128xf32, #tpu.memory_space<hbm>>, %arg6: memref<80xi32, #tpu.memory_space<vmem>>, %arg7: memref<80xi32, #tpu.memory_space<vmem>>, %arg8: memref<80x128xf32, #tpu.memory_space<vmem>>, %arg9: memref<128x128xf32, #tpu.memory_space<vmem>>, %arg10: memref<10240x128xf32, #tpu.memory_space<vmem_shared>>, %arg11: memref<!tpu.dma_semaphore, #tpu.memory_space<semaphore_mem>>) attributes {dimension_semantics = [#tpu.dimension_semantics<core_parallel>, #tpu.dimension_semantics<subcore_parallel>], iteration_bounds = array<i64: 2, 16>, scalar_prefetch = 0 : i64, scratch_operands = 6 : i64, tpu.core_type = #tpu.core_type<sc_vector_subcore>, window_params = [{transform_indices = #map}, {transform_indices = #map}, {transform_indices = #map1}, {transform_indices = #map2}]} {
    %mul3A = arith.constant 16 : i32
    %mul3A_0 = arith.muli %arg0, %mul3A : i32
    %add3A = arith.addi %mul3A_0, %arg1 : i32
    %scan3A = arith.constant 0 : i32
    %scan3A_1 = arith.constant 0 : i32
    %scan3A_2 = arith.constant 1024 : i32
    %scan3A_3 = arith.addi %scan3A_1, %scan3A_2 : i32
    %scan3A_4 = arith.constant 1 : i32
    %scan3A_5 = scf.for %scan3A_39 = %scan3A_1 to %scan3A_3 step %scan3A_4 iter_args(%scan3A_40 = %scan3A) -> (i32)  : i32 {
      %broadcast_in_dim3A = arith.constant 0.000000e+00 : f32
      %broadcast_in_dim3A_41 = vector.broadcast %broadcast_in_dim3A : f32 to vector<16xf32>
      %jit3A = arith.constant 8 : i32
      %div3A = arith.divsi %scan3A_39, %jit3A : i32
      %sign3A = arith.constant 0 : i32
      %sign3A_42 = arith.cmpi sgt, %scan3A_39, %sign3A : i32
      %sign3A_43 = arith.extui %sign3A_42 : i1 to i32
      %sign3A_44 = arith.constant 0 : i32
      %sign3A_45 = arith.cmpi slt, %scan3A_39, %sign3A_44 : i32
      %sign3A_46 = arith.extui %sign3A_45 : i1 to i32
      %sign3A_47 = arith.subi %sign3A_43, %sign3A_46 : i32
      %sign3A_48 = arith.constant 0 : i32
      %sign3A_49 = arith.cmpi sgt, %jit3A, %sign3A_48 : i32
      %sign3A_50 = arith.extui %sign3A_49 : i1 to i32
      %sign3A_51 = arith.constant 0 : i32
      %sign3A_52 = arith.cmpi slt, %jit3A, %sign3A_51 : i32
      %sign3A_53 = arith.extui %sign3A_52 : i1 to i32
      %sign3A_54 = arith.subi %sign3A_50, %sign3A_53 : i32
      %ne3A = arith.cmpi ne, %sign3A_47, %sign3A_54 : i32
      %rem3A = arith.remsi %scan3A_39, %jit3A : i32
      %ne3A_55 = arith.constant 0 : i32
      %ne3A_56 = arith.cmpi ne, %rem3A, %ne3A_55 : i32
      %and3A = arith.andi %ne3A, %ne3A_56 : i1
      %sub3A = arith.constant 1 : i32
      %sub3A_57 = arith.subi %div3A, %sub3A : i32
      %select_n3A = arith.select %and3A, %sub3A_57, %div3A : i32
      %jit3A_58 = arith.constant 8 : i32
      %eq3A = arith.constant 0 : i32
      %eq3A_59 = arith.cmpi eq, %jit3A_58, %eq3A : i32
      %jit3A_60 = arith.constant 1 : i32
      %select_n3A_61 = arith.select %eq3A_59, %jit3A_60, %jit3A_58 : i32
      %rem3A_62 = arith.remsi %scan3A_39, %select_n3A_61 : i32
      %ne3A_63 = arith.constant 0 : i32
      %ne3A_64 = arith.cmpi ne, %rem3A_62, %ne3A_63 : i32
      %lt3A = arith.constant 0 : i32
      %lt3A_65 = arith.cmpi slt, %rem3A_62, %lt3A : i32
      %lt3A_66 = arith.constant 0 : i32
      %lt3A_67 = arith.cmpi slt, %select_n3A_61, %lt3A_66 : i32
      %ne3A_68 = arith.xori %lt3A_65, %lt3A_67 : i1
      %and3A_69 = arith.andi %ne3A_68, %ne3A_64 : i1
      %add3A_70 = arith.addi %rem3A_62, %select_n3A_61 : i32
      %select_n3A_71 = arith.select %and3A_69, %add3A_70, %rem3A_62 : i32
      %mul3A_72 = arith.constant 16 : i32
      %mul3A_73 = arith.muli %select_n3A_71, %mul3A_72 : i32
      %swap3A = arith.index_cast %select_n3A : i32 to index
      %swap3A_74 = arith.index_cast %mul3A_73 : i32 to index
      %swap3A_75 = tpu.vector_load %arg9[%swap3A, %swap3A_74] {strides = array<i32>} : memref<128x128xf32, #tpu.memory_space<vmem>>, vector<1x16xf32>,
      %swap3A_76 = vector.shape_cast %swap3A_75 : vector<1x16xf32> to vector<16xf32>
      %swap3A_77 = vector.shape_cast %broadcast_in_dim3A_41 : vector<16xf32> to vector<1x16xf32>
      tpu.vector_store %arg9[%swap3A, %swap3A_74], %swap3A_77 {strides = array<i32>} : memref<128x128xf32, #tpu.memory_space<vmem>>, vector<1x16xf32>,
      %scan3A_78 = arith.constant 0 : i32
      scf.yield %scan3A_78 : i32
    }
    %scan3A_6 = arith.constant 1024 : i32
    %mul3A_7 = arith.constant 640 : i32
    %mul3A_8 = arith.muli %arg1, %mul3A_7 : i32
    %add3A_9 = arith.constant 0 : i32
    %add3A_10 = arith.addi %mul3A_8, %add3A_9 : i32
    "tpu.region"() ({
      %run_scoped3A = tpu.sem_alloc : memref<!tpu.dma_semaphore, #tpu.memory_space<semaphore_mem>>
      %dma_start3A = arith.constant 0 : i32
      %dma_start3A_39 = tpu.memref_slice %arg10[%add3A_10, %dma_start3A] : memref<10240x128xf32, #tpu.memory_space<vmem_shared>> -> memref<128x128xf32, #tpu.memory_space<vmem_shared>>
      %dma_start3A_40 = arith.constant 0 : i32
      %dma_start3A_41 = tpu.memref_slice %arg10[%add3A_10, %dma_start3A_40] : memref<10240x128xf32, #tpu.memory_space<vmem_shared>> -> memref<128x128xf32, #tpu.memory_space<vmem_shared>>
      tpu.enqueue_dma source(%arg9 : memref<128x128xf32, #tpu.memory_space<vmem>>) target(%dma_start3A_41 : memref<128x128xf32, #tpu.memory_space<vmem_shared>>) target_semaphore(%run_scoped3A : memref<!tpu.dma_semaphore, #tpu.memory_space<semaphore_mem>>)
      %dma_wait3A = arith.constant 0 : i32
      %dma_wait3A_42 = tpu.memref_slice %arg10[%add3A_10, %dma_wait3A] : memref<10240x128xf32, #tpu.memory_space<vmem_shared>> -> memref<128x128xf32, #tpu.memory_space<vmem_shared>>
      %dma_wait3A_43 = arith.constant 0 : i32
      %dma_wait3A_44 = tpu.memref_slice %arg10[%add3A_10, %dma_wait3A_43] : memref<10240x128xf32, #tpu.memory_space<vmem_shared>> -> memref<128x128xf32, #tpu.memory_space<vmem_shared>>
      tpu.wait_dma2 semaphore(%run_scoped3A : memref<!tpu.dma_semaphore, #tpu.memory_space<semaphore_mem>>) src(%arg9 : memref<128x128xf32, #tpu.memory_space<vmem>>) dst(%dma_wait3A_44 : memref<128x128xf32, #tpu.memory_space<vmem_shared>>)
      tpu.yield
    }) : () -> ()
    %mul3A_11 = arith.constant 640 : i32
    %mul3A_12 = arith.muli %arg1, %mul3A_11 : i32
    %add3A_13 = arith.constant 128 : i32
    %add3A_14 = arith.addi %mul3A_12, %add3A_13 : i32
    "tpu.region"() ({
      %run_scoped3A = tpu.sem_alloc : memref<!tpu.dma_semaphore, #tpu.memory_space<semaphore_mem>>
      %dma_start3A = arith.constant 0 : i32
      %dma_start3A_39 = tpu.memref_slice %arg10[%add3A_14, %dma_start3A] : memref<10240x128xf32, #tpu.memory_space<vmem_shared>> -> memref<128x128xf32, #tpu.memory_space<vmem_shared>>
      %dma_start3A_40 = arith.constant 0 : i32
      %dma_start3A_41 = tpu.memref_slice %arg10[%add3A_14, %dma_start3A_40] : memref<10240x128xf32, #tpu.memory_space<vmem_shared>> -> memref<128x128xf32, #tpu.memory_space<vmem_shared>>
      tpu.enqueue_dma source(%arg9 : memref<128x128xf32, #tpu.memory_space<vmem>>) target(%dma_start3A_41 : memref<128x128xf32, #tpu.memory_space<vmem_shared>>) target_semaphore(%run_scoped3A : memref<!tpu.dma_semaphore, #tpu.memory_space<semaphore_mem>>)
      %dma_wait3A = arith.constant 0 : i32
      %dma_wait3A_42 = tpu.memref_slice %arg10[%add3A_14, %dma_wait3A] : memref<10240x128xf32, #tpu.memory_space<vmem_shared>> -> memref<128x128xf32, #tpu.memory_space<vmem_shared>>
      %dma_wait3A_43 = arith.constant 0 : i32
      %dma_wait3A_44 = tpu.memref_slice %arg10[%add3A_14, %dma_wait3A_43] : memref<10240x128xf32, #tpu.memory_space<vmem_shared>> -> memref<128x128xf32, #tpu.memory_space<vmem_shared>>
      tpu.wait_dma2 semaphore(%run_scoped3A : memref<!tpu.dma_semaphore, #tpu.memory_space<semaphore_mem>>) src(%arg9 : memref<128x128xf32, #tpu.memory_space<vmem>>) dst(%dma_wait3A_44 : memref<128x128xf32, #tpu.memory_space<vmem_shared>>)
      tpu.yield
    }) : () -> ()
    %mul3A_15 = arith.constant 640 : i32
    %mul3A_16 = arith.muli %arg1, %mul3A_15 : i32
    %add3A_17 = arith.constant 256 : i32
    %add3A_18 = arith.addi %mul3A_16, %add3A_17 : i32
    "tpu.region"() ({
      %run_scoped3A = tpu.sem_alloc : memref<!tpu.dma_semaphore, #tpu.memory_space<semaphore_mem>>
      %dma_start3A = arith.constant 0 : i32
      %dma_start3A_39 = tpu.memref_slice %arg10[%add3A_18, %dma_start3A] : memref<10240x128xf32, #tpu.memory_space<vmem_shared>> -> memref<128x128xf32, #tpu.memory_space<vmem_shared>>
      %dma_start3A_40 = arith.constant 0 : i32
      %dma_start3A_41 = tpu.memref_slice %arg10[%add3A_18, %dma_start3A_40] : memref<10240x128xf32, #tpu.memory_space<vmem_shared>> -> memref<128x128xf32, #tpu.memory_space<vmem_shared>>
      tpu.enqueue_dma source(%arg9 : memref<128x128xf32, #tpu.memory_space<vmem>>) target(%dma_start3A_41 : memref<128x128xf32, #tpu.memory_space<vmem_shared>>) target_semaphore(%run_scoped3A : memref<!tpu.dma_semaphore, #tpu.memory_space<semaphore_mem>>)
      %dma_wait3A = arith.constant 0 : i32
      %dma_wait3A_42 = tpu.memref_slice %arg10[%add3A_18, %dma_wait3A] : memref<10240x128xf32, #tpu.memory_space<vmem_shared>> -> memref<128x128xf32, #tpu.memory_space<vmem_shared>>
      %dma_wait3A_43 = arith.constant 0 : i32
      %dma_wait3A_44 = tpu.memref_slice %arg10[%add3A_18, %dma_wait3A_43] : memref<10240x128xf32, #tpu.memory_space<vmem_shared>> -> memref<128x128xf32, #tpu.memory_space<vmem_shared>>
      tpu.wait_dma2 semaphore(%run_scoped3A : memref<!tpu.dma_semaphore, #tpu.memory_space<semaphore_mem>>) src(%arg9 : memref<128x128xf32, #tpu.memory_space<vmem>>) dst(%dma_wait3A_44 : memref<128x128xf32, #tpu.memory_space<vmem_shared>>)
      tpu.yield
    }) : () -> ()
    %mul3A_19 = arith.constant 640 : i32
    %mul3A_20 = arith.muli %arg1, %mul3A_19 : i32
    %add3A_21 = arith.constant 384 : i32
    %add3A_22 = arith.addi %mul3A_20, %add3A_21 : i32
    "tpu.region"() ({
      %run_scoped3A = tpu.sem_alloc : memref<!tpu.dma_semaphore, #tpu.memory_space<semaphore_mem>>
      %dma_start3A = arith.constant 0 : i32
      %dma_start3A_39 = tpu.memref_slice %arg10[%add3A_22, %dma_start3A] : memref<10240x128xf32, #tpu.memory_space<vmem_shared>> -> memref<128x128xf32, #tpu.memory_space<vmem_shared>>
      %dma_start3A_40 = arith.constant 0 : i32
      %dma_start3A_41 = tpu.memref_slice %arg10[%add3A_22, %dma_start3A_40] : memref<10240x128xf32, #tpu.memory_space<vmem_shared>> -> memref<128x128xf32, #tpu.memory_space<vmem_shared>>
      tpu.enqueue_dma source(%arg9 : memref<128x128xf32, #tpu.memory_space<vmem>>) target(%dma_start3A_41 : memref<128x128xf32, #tpu.memory_space<vmem_shared>>) target_semaphore(%run_scoped3A : memref<!tpu.dma_semaphore, #tpu.memory_space<semaphore_mem>>)
      %dma_wait3A = arith.constant 0 : i32
      %dma_wait3A_42 = tpu.memref_slice %arg10[%add3A_22, %dma_wait3A] : memref<10240x128xf32, #tpu.memory_space<vmem_shared>> -> memref<128x128xf32, #tpu.memory_space<vmem_shared>>
      %dma_wait3A_43 = arith.constant 0 : i32
      %dma_wait3A_44 = tpu.memref_slice %arg10[%add3A_22, %dma_wait3A_43] : memref<10240x128xf32, #tpu.memory_space<vmem_shared>> -> memref<128x128xf32, #tpu.memory_space<vmem_shared>>
      tpu.wait_dma2 semaphore(%run_scoped3A : memref<!tpu.dma_semaphore, #tpu.memory_space<semaphore_mem>>) src(%arg9 : memref<128x128xf32, #tpu.memory_space<vmem>>) dst(%dma_wait3A_44 : memref<128x128xf32, #tpu.memory_space<vmem_shared>>)
      tpu.yield
    }) : () -> ()
    %mul3A_23 = arith.constant 640 : i32
    %mul3A_24 = arith.muli %arg1, %mul3A_23 : i32
    %add3A_25 = arith.constant 512 : i32
    %add3A_26 = arith.addi %mul3A_24, %add3A_25 : i32
    "tpu.region"() ({
      %run_scoped3A = tpu.sem_alloc : memref<!tpu.dma_semaphore, #tpu.memory_space<semaphore_mem>>
      %dma_start3A = arith.constant 0 : i32
      %dma_start3A_39 = tpu.memref_slice %arg10[%add3A_26, %dma_start3A] : memref<10240x128xf32, #tpu.memory_space<vmem_shared>> -> memref<128x128xf32, #tpu.memory_space<vmem_shared>>
      %dma_start3A_40 = arith.constant 0 : i32
      %dma_start3A_41 = tpu.memref_slice %arg10[%add3A_26, %dma_start3A_40] : memref<10240x128xf32, #tpu.memory_space<vmem_shared>> -> memref<128x128xf32, #tpu.memory_space<vmem_shared>>
      tpu.enqueue_dma source(%arg9 : memref<128x128xf32, #tpu.memory_space<vmem>>) target(%dma_start3A_41 : memref<128x128xf32, #tpu.memory_space<vmem_shared>>) target_semaphore(%run_scoped3A : memref<!tpu.dma_semaphore, #tpu.memory_space<semaphore_mem>>)
      %dma_wait3A = arith.constant 0 : i32
      %dma_wait3A_42 = tpu.memref_slice %arg10[%add3A_26, %dma_wait3A] : memref<10240x128xf32, #tpu.memory_space<vmem_shared>> -> memref<128x128xf32, #tpu.memory_space<vmem_shared>>
      %dma_wait3A_43 = arith.constant 0 : i32
      %dma_wait3A_44 = tpu.memref_slice %arg10[%add3A_26, %dma_wait3A_43] : memref<10240x128xf32, #tpu.memory_space<vmem_shared>> -> memref<128x128xf32, #tpu.memory_space<vmem_shared>>
      tpu.wait_dma2 semaphore(%run_scoped3A : memref<!tpu.dma_semaphore, #tpu.memory_space<semaphore_mem>>) src(%arg9 : memref<128x128xf32, #tpu.memory_space<vmem>>) dst(%dma_wait3A_44 : memref<128x128xf32, #tpu.memory_space<vmem_shared>>)
      tpu.yield
    }) : () -> ()
    %barrier3A = arith.constant 0 : index
    tpu.barrier barrier_id(%barrier3A)
    %mul3A_27 = arith.constant 10000 : i32
    %mul3A_28 = arith.muli %add3A, %mul3A_27 : i32
    %scan3A_29 = arith.constant 0 : i32
    %scan3A_30 = arith.constant 0 : i32
    %scan3A_31 = arith.constant 125 : i32
    %scan3A_32 = arith.addi %scan3A_30, %scan3A_31 : i32
    %scan3A_33 = arith.constant 1 : i32
    %scan3A_34 = scf.for %scan3A_39 = %scan3A_30 to %scan3A_32 step %scan3A_33 iter_args(%scan3A_40 = %scan3A_29) -> (i32)  : i32 {
      %mul3A_41 = arith.constant 80 : i32
      %mul3A_42 = arith.muli %scan3A_39, %mul3A_41 : i32
      %add3A_43 = arith.addi %mul3A_28, %mul3A_42 : i32
      "tpu.region"() ({
        %run_scoped3A = tpu.sem_alloc : memref<!tpu.dma_semaphore, #tpu.memory_space<semaphore_mem>>
        %dma_start3A_49 = tpu.memref_slice %arg2[%add3A_43] : memref<320000xi32, #tpu.memory_space<hbm>> -> memref<80xi32, #tpu.memory_space<hbm>>
        %dma_start3A_50 = tpu.memref_slice %arg2[%add3A_43] : memref<320000xi32, #tpu.memory_space<hbm>> -> memref<80xi32, #tpu.memory_space<hbm>>
        tpu.enqueue_dma source(%dma_start3A_50 : memref<80xi32, #tpu.memory_space<hbm>>) target(%arg6 : memref<80xi32, #tpu.memory_space<vmem>>) target_semaphore(%run_scoped3A : memref<!tpu.dma_semaphore, #tpu.memory_space<semaphore_mem>>)
        %dma_wait3A_51 = tpu.memref_slice %arg2[%add3A_43] : memref<320000xi32, #tpu.memory_space<hbm>> -> memref<80xi32, #tpu.memory_space<hbm>>
        %dma_wait3A_52 = tpu.memref_slice %arg2[%add3A_43] : memref<320000xi32, #tpu.memory_space<hbm>> -> memref<80xi32, #tpu.memory_space<hbm>>
        tpu.wait_dma2 semaphore(%run_scoped3A : memref<!tpu.dma_semaphore, #tpu.memory_space<semaphore_mem>>) src(%dma_wait3A_52 : memref<80xi32, #tpu.memory_space<hbm>>) dst(%arg6 : memref<80xi32, #tpu.memory_space<vmem>>)
        tpu.yield
      }) : () -> ()
      "tpu.region"() ({
        %run_scoped3A = tpu.sem_alloc : memref<!tpu.dma_semaphore, #tpu.memory_space<semaphore_mem>>
        %dma_start3A_49 = tpu.memref_slice %arg3[%add3A_43] : memref<320000xi32, #tpu.memory_space<hbm>> -> memref<80xi32, #tpu.memory_space<hbm>>
        %dma_start3A_50 = tpu.memref_slice %arg3[%add3A_43] : memref<320000xi32, #tpu.memory_space<hbm>> -> memref<80xi32, #tpu.memory_space<hbm>>
        tpu.enqueue_dma source(%dma_start3A_50 : memref<80xi32, #tpu.memory_space<hbm>>) target(%arg7 : memref<80xi32, #tpu.memory_space<vmem>>) target_semaphore(%run_scoped3A : memref<!tpu.dma_semaphore, #tpu.memory_space<semaphore_mem>>)
        %dma_wait3A_51 = tpu.memref_slice %arg3[%add3A_43] : memref<320000xi32, #tpu.memory_space<hbm>> -> memref<80xi32, #tpu.memory_space<hbm>>
        %dma_wait3A_52 = tpu.memref_slice %arg3[%add3A_43] : memref<320000xi32, #tpu.memory_space<hbm>> -> memref<80xi32, #tpu.memory_space<hbm>>
        tpu.wait_dma2 semaphore(%run_scoped3A : memref<!tpu.dma_semaphore, #tpu.memory_space<semaphore_mem>>) src(%dma_wait3A_52 : memref<80xi32, #tpu.memory_space<hbm>>) dst(%arg7 : memref<80xi32, #tpu.memory_space<vmem>>)
        tpu.yield
      }) : () -> ()
      %dma_start3A = arith.constant 0 : i32
      %dma_start3A_44 = arith.constant 0 : i32
      %dma_start3A_45 = tpu.memref_slice %arg4[%dma_start3A, %dma_start3A_44] : memref<10000x128xf32, #tpu.memory_space<hbm>> -> memref<10000x128xf32, #tpu.memory_space<hbm>>
      tpu.enqueue_indirect_dma source(%dma_start3A_45 : memref<10000x128xf32, #tpu.memory_space<hbm>>) target(%arg8 : memref<80x128xf32, #tpu.memory_space<vmem>>) offsets(%arg6 : memref<80xi32, #tpu.memory_space<vmem>>) semaphore(%arg11 : memref<!tpu.dma_semaphore, #tpu.memory_space<semaphore_mem>>)
      %dma_wait3A = arith.constant 0 : i32
      %dma_wait3A_46 = arith.constant 0 : i32
      %dma_wait3A_47 = tpu.memref_slice %arg4[%dma_wait3A, %dma_wait3A_46] : memref<10000x128xf32, #tpu.memory_space<hbm>> -> memref<10000x128xf32, #tpu.memory_space<hbm>>
      tpu.wait_indirect_dma semaphore(%arg11 : memref<!tpu.dma_semaphore, #tpu.memory_space<semaphore_mem>>) src(%dma_wait3A_47 : memref<10000x128xf32, #tpu.memory_space<hbm>>) dst(%arg8 : memref<80x128xf32, #tpu.memory_space<vmem>>)
      "tpu.region"() ({
        %run_scoped3A = tpu.sem_alloc : memref<!tpu.dma_semaphore, #tpu.memory_space<semaphore_mem>>
        %dma_start3A_49 = arith.constant 0 : i32
        %dma_start3A_50 = arith.constant 0 : i32
        %dma_start3A_51 = tpu.memref_slice %arg10[%dma_start3A_49, %dma_start3A_50] : memref<10240x128xf32, #tpu.memory_space<vmem_shared>> -> memref<10240x128xf32, #tpu.memory_space<vmem_shared>>
        tpu.enqueue_indirect_dma source(%arg8 : memref<80x128xf32, #tpu.memory_space<vmem>>) target(%dma_start3A_51 : memref<10240x128xf32, #tpu.memory_space<vmem_shared>>) offsets(%arg7 : memref<80xi32, #tpu.memory_space<vmem>>) semaphore(%run_scoped3A : memref<!tpu.dma_semaphore, #tpu.memory_space<semaphore_mem>>) {add = true}
        %dma_wait3A_52 = arith.constant 0 : i32
        %dma_wait3A_53 = arith.constant 0 : i32
        %dma_wait3A_54 = tpu.memref_slice %arg10[%dma_wait3A_52, %dma_wait3A_53] : memref<10240x128xf32, #tpu.memory_space<vmem_shared>> -> memref<10240x128xf32, #tpu.memory_space<vmem_shared>>
        tpu.wait_indirect_dma semaphore(%run_scoped3A : memref<!tpu.dma_semaphore, #tpu.memory_space<semaphore_mem>>) src(%arg8 : memref<80x128xf32, #tpu.memory_space<vmem>>) dst(%dma_wait3A_54 : memref<10240x128xf32, #tpu.memory_space<vmem_shared>>)
        tpu.yield
      }) : () -> ()
      %scan3A_48 = arith.constant 0 : i32
      scf.yield %scan3A_48 : i32
    }
    %scan3A_35 = arith.constant 125 : i32
    %barrier3A_36 = arith.constant 0 : index
    tpu.barrier barrier_id(%barrier3A_36)
    %mul3A_37 = arith.constant 640 : i32
    %mul3A_38 = arith.muli %arg1, %mul3A_37 : i32
    "tpu.region"() ({
      %run_scoped3A = tpu.sem_alloc : memref<!tpu.dma_semaphore, #tpu.memory_space<semaphore_mem>>
      %dma_start3A = arith.constant 0 : i32
      %dma_start3A_39 = tpu.memref_slice %arg5[%arg0, %mul3A_38, %dma_start3A] : memref<2x10240x128xf32, #tpu.memory_space<hbm>> -> memref<1x640x128xf32, #tpu.memory_space<hbm>>
      %dma_start3A_40 = tpu.memref_squeeze %dma_start3A_39 : memref<1x640x128xf32, #tpu.memory_space<hbm>> -> memref<640x128xf32, #tpu.memory_space<hbm>>
      %dma_start3A_41 = arith.constant 0 : i32
      %dma_start3A_42 = tpu.memref_slice %arg10[%mul3A_38, %dma_start3A_41] : memref<10240x128xf32, #tpu.memory_space<vmem_shared>> -> memref<640x128xf32, #tpu.memory_space<vmem_shared>>
      tpu.enqueue_dma source(%dma_start3A_42 : memref<640x128xf32, #tpu.memory_space<vmem_shared>>) target(%dma_start3A_40 : memref<640x128xf32, #tpu.memory_space<hbm>>) target_semaphore(%run_scoped3A : memref<!tpu.dma_semaphore, #tpu.memory_space<semaphore_mem>>)
      %dma_wait3A = arith.constant 0 : i32
      %dma_wait3A_43 = tpu.memref_slice %arg5[%arg0, %mul3A_38, %dma_wait3A] : memref<2x10240x128xf32, #tpu.memory_space<hbm>> -> memref<1x640x128xf32, #tpu.memory_space<hbm>>
      %dma_wait3A_44 = tpu.memref_squeeze %dma_wait3A_43 : memref<1x640x128xf32, #tpu.memory_space<hbm>> -> memref<640x128xf32, #tpu.memory_space<hbm>>
      %dma_wait3A_45 = arith.constant 0 : i32
      %dma_wait3A_46 = tpu.memref_slice %arg10[%mul3A_38, %dma_wait3A_45] : memref<10240x128xf32, #tpu.memory_space<vmem_shared>> -> memref<640x128xf32, #tpu.memory_space<vmem_shared>>
      tpu.wait_dma2 semaphore(%run_scoped3A : memref<!tpu.dma_semaphore, #tpu.memory_space<semaphore_mem>>) src(%dma_wait3A_46 : memref<640x128xf32, #tpu.memory_space<vmem_shared>>) dst(%dma_wait3A_44 : memref<640x128xf32, #tpu.memory_space<hbm>>)
      tpu.yield
    }) : () -> ()
    return
  }
}

#map = affine_map<(d0, d1) -> (0)>
#map1 = affine_map<(d0, d1) -> (0, 0)>
#map2 = affine_map<(d0, d1) -> (0, 0, 0)>
module attributes {stable_mosaic.version = 14 : i64} {
  func.func @edge_kernel(%arg0: i32, %arg1: i32, %arg2: memref<320000xi32, #tpu.memory_space<hbm>>, %arg3: memref<320000xi32, #tpu.memory_space<hbm>>, %arg4: memref<10000x16xf32, #tpu.memory_space<hbm>>, %arg5: memref<2x10240x16xf32, #tpu.memory_space<hbm>>, %arg6: memref<80xi32, #tpu.memory_space<vmem>>, %arg7: memref<80xi32, #tpu.memory_space<vmem>>, %arg8: memref<80x16xf32, #tpu.memory_space<vmem>>, %arg9: memref<128x16xf32, #tpu.memory_space<vmem>>, %arg10: memref<10240x16xf32, #tpu.memory_space<vmem_shared>>, %arg11: memref<!tpu.dma_semaphore, #tpu.memory_space<semaphore_mem>>) attributes {dimension_semantics = [#tpu.dimension_semantics<core_parallel>, #tpu.dimension_semantics<subcore_parallel>], iteration_bounds = array<i64: 2, 16>, scalar_prefetch = 0 : i64, scratch_operands = 6 : i64, tpu.core_type = #tpu.core_type<sc_vector_subcore>, window_params = [{transform_indices = #map}, {transform_indices = #map}, {transform_indices = #map1}, {transform_indices = #map2}]} {
    %mul3A = arith.constant 16 : i32
    %mul3A_0 = arith.muli %arg0, %mul3A : i32
    %add3A = arith.addi %mul3A_0, %arg1 : i32
    %scan3A = arith.constant 0 : i32
    %scan3A_1 = arith.constant 0 : i32
    %scan3A_2 = arith.constant 128 : i32
    %scan3A_3 = arith.addi %scan3A_1, %scan3A_2 : i32
    %scan3A_4 = arith.constant 1 : i32
    %scan3A_5 = scf.for %scan3A_39 = %scan3A_1 to %scan3A_3 step %scan3A_4 iter_args(%scan3A_40 = %scan3A) -> (i32)  : i32 {
      %broadcast_in_dim3A = arith.constant 0.000000e+00 : f32
      %broadcast_in_dim3A_41 = vector.broadcast %broadcast_in_dim3A : f32 to vector<16xf32>
      %jit3A = arith.constant 1 : i32
      %div3A = arith.divsi %scan3A_39, %jit3A : i32
      %sign3A = arith.constant 0 : i32
      %sign3A_42 = arith.cmpi sgt, %scan3A_39, %sign3A : i32
      %sign3A_43 = arith.extui %sign3A_42 : i1 to i32
      %sign3A_44 = arith.constant 0 : i32
      %sign3A_45 = arith.cmpi slt, %scan3A_39, %sign3A_44 : i32
      %sign3A_46 = arith.extui %sign3A_45 : i1 to i32
      %sign3A_47 = arith.subi %sign3A_43, %sign3A_46 : i32
      %sign3A_48 = arith.constant 0 : i32
      %sign3A_49 = arith.cmpi sgt, %jit3A, %sign3A_48 : i32
      %sign3A_50 = arith.extui %sign3A_49 : i1 to i32
      %sign3A_51 = arith.constant 0 : i32
      %sign3A_52 = arith.cmpi slt, %jit3A, %sign3A_51 : i32
      %sign3A_53 = arith.extui %sign3A_52 : i1 to i32
      %sign3A_54 = arith.subi %sign3A_50, %sign3A_53 : i32
      %ne3A = arith.cmpi ne, %sign3A_47, %sign3A_54 : i32
      %rem3A = arith.remsi %scan3A_39, %jit3A : i32
      %ne3A_55 = arith.constant 0 : i32
      %ne3A_56 = arith.cmpi ne, %rem3A, %ne3A_55 : i32
      %and3A = arith.andi %ne3A, %ne3A_56 : i1
      %sub3A = arith.constant 1 : i32
      %sub3A_57 = arith.subi %div3A, %sub3A : i32
      %select_n3A = arith.select %and3A, %sub3A_57, %div3A : i32
      %jit3A_58 = arith.constant 1 : i32
      %eq3A = arith.constant 0 : i32
      %eq3A_59 = arith.cmpi eq, %jit3A_58, %eq3A : i32
      %jit3A_60 = arith.constant 1 : i32
      %select_n3A_61 = arith.select %eq3A_59, %jit3A_60, %jit3A_58 : i32
      %rem3A_62 = arith.remsi %scan3A_39, %select_n3A_61 : i32
      %ne3A_63 = arith.constant 0 : i32
      %ne3A_64 = arith.cmpi ne, %rem3A_62, %ne3A_63 : i32
      %lt3A = arith.constant 0 : i32
      %lt3A_65 = arith.cmpi slt, %rem3A_62, %lt3A : i32
      %lt3A_66 = arith.constant 0 : i32
      %lt3A_67 = arith.cmpi slt, %select_n3A_61, %lt3A_66 : i32
      %ne3A_68 = arith.xori %lt3A_65, %lt3A_67 : i1
      %and3A_69 = arith.andi %ne3A_68, %ne3A_64 : i1
      %add3A_70 = arith.addi %rem3A_62, %select_n3A_61 : i32
      %select_n3A_71 = arith.select %and3A_69, %add3A_70, %rem3A_62 : i32
      %mul3A_72 = arith.constant 16 : i32
      %mul3A_73 = arith.muli %select_n3A_71, %mul3A_72 : i32
      %swap3A = arith.index_cast %select_n3A : i32 to index
      %swap3A_74 = arith.index_cast %mul3A_73 : i32 to index
      %swap3A_75 = tpu.vector_load %arg9[%swap3A, %swap3A_74] {strides = array<i32>} : memref<128x16xf32, #tpu.memory_space<vmem>>, vector<1x16xf32>,
      %swap3A_76 = vector.shape_cast %swap3A_75 : vector<1x16xf32> to vector<16xf32>
      %swap3A_77 = vector.shape_cast %broadcast_in_dim3A_41 : vector<16xf32> to vector<1x16xf32>
      tpu.vector_store %arg9[%swap3A, %swap3A_74], %swap3A_77 {strides = array<i32>} : memref<128x16xf32, #tpu.memory_space<vmem>>, vector<1x16xf32>,
      %scan3A_78 = arith.constant 0 : i32
      scf.yield %scan3A_78 : i32
    }
    %scan3A_6 = arith.constant 128 : i32
    %mul3A_7 = arith.constant 640 : i32
    %mul3A_8 = arith.muli %arg1, %mul3A_7 : i32
    %add3A_9 = arith.constant 0 : i32
    %add3A_10 = arith.addi %mul3A_8, %add3A_9 : i32
    "tpu.region"() ({
      %run_scoped3A = tpu.sem_alloc : memref<!tpu.dma_semaphore, #tpu.memory_space<semaphore_mem>>
      %dma_start3A = arith.constant 0 : i32
      %dma_start3A_39 = tpu.memref_slice %arg10[%add3A_10, %dma_start3A] : memref<10240x16xf32, #tpu.memory_space<vmem_shared>> -> memref<128x16xf32, #tpu.memory_space<vmem_shared>>
      %dma_start3A_40 = arith.constant 0 : i32
      %dma_start3A_41 = tpu.memref_slice %arg10[%add3A_10, %dma_start3A_40] : memref<10240x16xf32, #tpu.memory_space<vmem_shared>> -> memref<128x16xf32, #tpu.memory_space<vmem_shared>>
      tpu.enqueue_dma source(%arg9 : memref<128x16xf32, #tpu.memory_space<vmem>>) target(%dma_start3A_41 : memref<128x16xf32, #tpu.memory_space<vmem_shared>>) target_semaphore(%run_scoped3A : memref<!tpu.dma_semaphore, #tpu.memory_space<semaphore_mem>>)
      %dma_wait3A = arith.constant 0 : i32
      %dma_wait3A_42 = tpu.memref_slice %arg10[%add3A_10, %dma_wait3A] : memref<10240x16xf32, #tpu.memory_space<vmem_shared>> -> memref<128x16xf32, #tpu.memory_space<vmem_shared>>
      %dma_wait3A_43 = arith.constant 0 : i32
      %dma_wait3A_44 = tpu.memref_slice %arg10[%add3A_10, %dma_wait3A_43] : memref<10240x16xf32, #tpu.memory_space<vmem_shared>> -> memref<128x16xf32, #tpu.memory_space<vmem_shared>>
      tpu.wait_dma2 semaphore(%run_scoped3A : memref<!tpu.dma_semaphore, #tpu.memory_space<semaphore_mem>>) src(%arg9 : memref<128x16xf32, #tpu.memory_space<vmem>>) dst(%dma_wait3A_44 : memref<128x16xf32, #tpu.memory_space<vmem_shared>>)
      tpu.yield
    }) : () -> ()
    %mul3A_11 = arith.constant 640 : i32
    %mul3A_12 = arith.muli %arg1, %mul3A_11 : i32
    %add3A_13 = arith.constant 128 : i32
    %add3A_14 = arith.addi %mul3A_12, %add3A_13 : i32
    "tpu.region"() ({
      %run_scoped3A = tpu.sem_alloc : memref<!tpu.dma_semaphore, #tpu.memory_space<semaphore_mem>>
      %dma_start3A = arith.constant 0 : i32
      %dma_start3A_39 = tpu.memref_slice %arg10[%add3A_14, %dma_start3A] : memref<10240x16xf32, #tpu.memory_space<vmem_shared>> -> memref<128x16xf32, #tpu.memory_space<vmem_shared>>
      %dma_start3A_40 = arith.constant 0 : i32
      %dma_start3A_41 = tpu.memref_slice %arg10[%add3A_14, %dma_start3A_40] : memref<10240x16xf32, #tpu.memory_space<vmem_shared>> -> memref<128x16xf32, #tpu.memory_space<vmem_shared>>
      tpu.enqueue_dma source(%arg9 : memref<128x16xf32, #tpu.memory_space<vmem>>) target(%dma_start3A_41 : memref<128x16xf32, #tpu.memory_space<vmem_shared>>) target_semaphore(%run_scoped3A : memref<!tpu.dma_semaphore, #tpu.memory_space<semaphore_mem>>)
      %dma_wait3A = arith.constant 0 : i32
      %dma_wait3A_42 = tpu.memref_slice %arg10[%add3A_14, %dma_wait3A] : memref<10240x16xf32, #tpu.memory_space<vmem_shared>> -> memref<128x16xf32, #tpu.memory_space<vmem_shared>>
      %dma_wait3A_43 = arith.constant 0 : i32
      %dma_wait3A_44 = tpu.memref_slice %arg10[%add3A_14, %dma_wait3A_43] : memref<10240x16xf32, #tpu.memory_space<vmem_shared>> -> memref<128x16xf32, #tpu.memory_space<vmem_shared>>
      tpu.wait_dma2 semaphore(%run_scoped3A : memref<!tpu.dma_semaphore, #tpu.memory_space<semaphore_mem>>) src(%arg9 : memref<128x16xf32, #tpu.memory_space<vmem>>) dst(%dma_wait3A_44 : memref<128x16xf32, #tpu.memory_space<vmem_shared>>)
      tpu.yield
    }) : () -> ()
    %mul3A_15 = arith.constant 640 : i32
    %mul3A_16 = arith.muli %arg1, %mul3A_15 : i32
    %add3A_17 = arith.constant 256 : i32
    %add3A_18 = arith.addi %mul3A_16, %add3A_17 : i32
    "tpu.region"() ({
      %run_scoped3A = tpu.sem_alloc : memref<!tpu.dma_semaphore, #tpu.memory_space<semaphore_mem>>
      %dma_start3A = arith.constant 0 : i32
      %dma_start3A_39 = tpu.memref_slice %arg10[%add3A_18, %dma_start3A] : memref<10240x16xf32, #tpu.memory_space<vmem_shared>> -> memref<128x16xf32, #tpu.memory_space<vmem_shared>>
      %dma_start3A_40 = arith.constant 0 : i32
      %dma_start3A_41 = tpu.memref_slice %arg10[%add3A_18, %dma_start3A_40] : memref<10240x16xf32, #tpu.memory_space<vmem_shared>> -> memref<128x16xf32, #tpu.memory_space<vmem_shared>>
      tpu.enqueue_dma source(%arg9 : memref<128x16xf32, #tpu.memory_space<vmem>>) target(%dma_start3A_41 : memref<128x16xf32, #tpu.memory_space<vmem_shared>>) target_semaphore(%run_scoped3A : memref<!tpu.dma_semaphore, #tpu.memory_space<semaphore_mem>>)
      %dma_wait3A = arith.constant 0 : i32
      %dma_wait3A_42 = tpu.memref_slice %arg10[%add3A_18, %dma_wait3A] : memref<10240x16xf32, #tpu.memory_space<vmem_shared>> -> memref<128x16xf32, #tpu.memory_space<vmem_shared>>
      %dma_wait3A_43 = arith.constant 0 : i32
      %dma_wait3A_44 = tpu.memref_slice %arg10[%add3A_18, %dma_wait3A_43] : memref<10240x16xf32, #tpu.memory_space<vmem_shared>> -> memref<128x16xf32, #tpu.memory_space<vmem_shared>>
      tpu.wait_dma2 semaphore(%run_scoped3A : memref<!tpu.dma_semaphore, #tpu.memory_space<semaphore_mem>>) src(%arg9 : memref<128x16xf32, #tpu.memory_space<vmem>>) dst(%dma_wait3A_44 : memref<128x16xf32, #tpu.memory_space<vmem_shared>>)
      tpu.yield
    }) : () -> ()
    %mul3A_19 = arith.constant 640 : i32
    %mul3A_20 = arith.muli %arg1, %mul3A_19 : i32
    %add3A_21 = arith.constant 384 : i32
    %add3A_22 = arith.addi %mul3A_20, %add3A_21 : i32
    "tpu.region"() ({
      %run_scoped3A = tpu.sem_alloc : memref<!tpu.dma_semaphore, #tpu.memory_space<semaphore_mem>>
      %dma_start3A = arith.constant 0 : i32
      %dma_start3A_39 = tpu.memref_slice %arg10[%add3A_22, %dma_start3A] : memref<10240x16xf32, #tpu.memory_space<vmem_shared>> -> memref<128x16xf32, #tpu.memory_space<vmem_shared>>
      %dma_start3A_40 = arith.constant 0 : i32
      %dma_start3A_41 = tpu.memref_slice %arg10[%add3A_22, %dma_start3A_40] : memref<10240x16xf32, #tpu.memory_space<vmem_shared>> -> memref<128x16xf32, #tpu.memory_space<vmem_shared>>
      tpu.enqueue_dma source(%arg9 : memref<128x16xf32, #tpu.memory_space<vmem>>) target(%dma_start3A_41 : memref<128x16xf32, #tpu.memory_space<vmem_shared>>) target_semaphore(%run_scoped3A : memref<!tpu.dma_semaphore, #tpu.memory_space<semaphore_mem>>)
      %dma_wait3A = arith.constant 0 : i32
      %dma_wait3A_42 = tpu.memref_slice %arg10[%add3A_22, %dma_wait3A] : memref<10240x16xf32, #tpu.memory_space<vmem_shared>> -> memref<128x16xf32, #tpu.memory_space<vmem_shared>>
      %dma_wait3A_43 = arith.constant 0 : i32
      %dma_wait3A_44 = tpu.memref_slice %arg10[%add3A_22, %dma_wait3A_43] : memref<10240x16xf32, #tpu.memory_space<vmem_shared>> -> memref<128x16xf32, #tpu.memory_space<vmem_shared>>
      tpu.wait_dma2 semaphore(%run_scoped3A : memref<!tpu.dma_semaphore, #tpu.memory_space<semaphore_mem>>) src(%arg9 : memref<128x16xf32, #tpu.memory_space<vmem>>) dst(%dma_wait3A_44 : memref<128x16xf32, #tpu.memory_space<vmem_shared>>)
      tpu.yield
    }) : () -> ()
    %mul3A_23 = arith.constant 640 : i32
    %mul3A_24 = arith.muli %arg1, %mul3A_23 : i32
    %add3A_25 = arith.constant 512 : i32
    %add3A_26 = arith.addi %mul3A_24, %add3A_25 : i32
    "tpu.region"() ({
      %run_scoped3A = tpu.sem_alloc : memref<!tpu.dma_semaphore, #tpu.memory_space<semaphore_mem>>
      %dma_start3A = arith.constant 0 : i32
      %dma_start3A_39 = tpu.memref_slice %arg10[%add3A_26, %dma_start3A] : memref<10240x16xf32, #tpu.memory_space<vmem_shared>> -> memref<128x16xf32, #tpu.memory_space<vmem_shared>>
      %dma_start3A_40 = arith.constant 0 : i32
      %dma_start3A_41 = tpu.memref_slice %arg10[%add3A_26, %dma_start3A_40] : memref<10240x16xf32, #tpu.memory_space<vmem_shared>> -> memref<128x16xf32, #tpu.memory_space<vmem_shared>>
      tpu.enqueue_dma source(%arg9 : memref<128x16xf32, #tpu.memory_space<vmem>>) target(%dma_start3A_41 : memref<128x16xf32, #tpu.memory_space<vmem_shared>>) target_semaphore(%run_scoped3A : memref<!tpu.dma_semaphore, #tpu.memory_space<semaphore_mem>>)
      %dma_wait3A = arith.constant 0 : i32
      %dma_wait3A_42 = tpu.memref_slice %arg10[%add3A_26, %dma_wait3A] : memref<10240x16xf32, #tpu.memory_space<vmem_shared>> -> memref<128x16xf32, #tpu.memory_space<vmem_shared>>
      %dma_wait3A_43 = arith.constant 0 : i32
      %dma_wait3A_44 = tpu.memref_slice %arg10[%add3A_26, %dma_wait3A_43] : memref<10240x16xf32, #tpu.memory_space<vmem_shared>> -> memref<128x16xf32, #tpu.memory_space<vmem_shared>>
      tpu.wait_dma2 semaphore(%run_scoped3A : memref<!tpu.dma_semaphore, #tpu.memory_space<semaphore_mem>>) src(%arg9 : memref<128x16xf32, #tpu.memory_space<vmem>>) dst(%dma_wait3A_44 : memref<128x16xf32, #tpu.memory_space<vmem_shared>>)
      tpu.yield
    }) : () -> ()
    %barrier3A = arith.constant 0 : index
    tpu.barrier barrier_id(%barrier3A)
    %mul3A_27 = arith.constant 10000 : i32
    %mul3A_28 = arith.muli %add3A, %mul3A_27 : i32
    %scan3A_29 = arith.constant 0 : i32
    %scan3A_30 = arith.constant 0 : i32
    %scan3A_31 = arith.constant 125 : i32
    %scan3A_32 = arith.addi %scan3A_30, %scan3A_31 : i32
    %scan3A_33 = arith.constant 1 : i32
    %scan3A_34 = scf.for %scan3A_39 = %scan3A_30 to %scan3A_32 step %scan3A_33 iter_args(%scan3A_40 = %scan3A_29) -> (i32)  : i32 {
      %mul3A_41 = arith.constant 80 : i32
      %mul3A_42 = arith.muli %scan3A_39, %mul3A_41 : i32
      %add3A_43 = arith.addi %mul3A_28, %mul3A_42 : i32
      "tpu.region"() ({
        %run_scoped3A = tpu.sem_alloc : memref<!tpu.dma_semaphore, #tpu.memory_space<semaphore_mem>>
        %dma_start3A_49 = tpu.memref_slice %arg2[%add3A_43] : memref<320000xi32, #tpu.memory_space<hbm>> -> memref<80xi32, #tpu.memory_space<hbm>>
        %dma_start3A_50 = tpu.memref_slice %arg2[%add3A_43] : memref<320000xi32, #tpu.memory_space<hbm>> -> memref<80xi32, #tpu.memory_space<hbm>>
        tpu.enqueue_dma source(%dma_start3A_50 : memref<80xi32, #tpu.memory_space<hbm>>) target(%arg6 : memref<80xi32, #tpu.memory_space<vmem>>) target_semaphore(%run_scoped3A : memref<!tpu.dma_semaphore, #tpu.memory_space<semaphore_mem>>)
        %dma_wait3A_51 = tpu.memref_slice %arg2[%add3A_43] : memref<320000xi32, #tpu.memory_space<hbm>> -> memref<80xi32, #tpu.memory_space<hbm>>
        %dma_wait3A_52 = tpu.memref_slice %arg2[%add3A_43] : memref<320000xi32, #tpu.memory_space<hbm>> -> memref<80xi32, #tpu.memory_space<hbm>>
        tpu.wait_dma2 semaphore(%run_scoped3A : memref<!tpu.dma_semaphore, #tpu.memory_space<semaphore_mem>>) src(%dma_wait3A_52 : memref<80xi32, #tpu.memory_space<hbm>>) dst(%arg6 : memref<80xi32, #tpu.memory_space<vmem>>)
        tpu.yield
      }) : () -> ()
      "tpu.region"() ({
        %run_scoped3A = tpu.sem_alloc : memref<!tpu.dma_semaphore, #tpu.memory_space<semaphore_mem>>
        %dma_start3A_49 = tpu.memref_slice %arg3[%add3A_43] : memref<320000xi32, #tpu.memory_space<hbm>> -> memref<80xi32, #tpu.memory_space<hbm>>
        %dma_start3A_50 = tpu.memref_slice %arg3[%add3A_43] : memref<320000xi32, #tpu.memory_space<hbm>> -> memref<80xi32, #tpu.memory_space<hbm>>
        tpu.enqueue_dma source(%dma_start3A_50 : memref<80xi32, #tpu.memory_space<hbm>>) target(%arg7 : memref<80xi32, #tpu.memory_space<vmem>>) target_semaphore(%run_scoped3A : memref<!tpu.dma_semaphore, #tpu.memory_space<semaphore_mem>>)
        %dma_wait3A_51 = tpu.memref_slice %arg3[%add3A_43] : memref<320000xi32, #tpu.memory_space<hbm>> -> memref<80xi32, #tpu.memory_space<hbm>>
        %dma_wait3A_52 = tpu.memref_slice %arg3[%add3A_43] : memref<320000xi32, #tpu.memory_space<hbm>> -> memref<80xi32, #tpu.memory_space<hbm>>
        tpu.wait_dma2 semaphore(%run_scoped3A : memref<!tpu.dma_semaphore, #tpu.memory_space<semaphore_mem>>) src(%dma_wait3A_52 : memref<80xi32, #tpu.memory_space<hbm>>) dst(%arg7 : memref<80xi32, #tpu.memory_space<vmem>>)
        tpu.yield
      }) : () -> ()
      %dma_start3A = arith.constant 0 : i32
      %dma_start3A_44 = arith.constant 0 : i32
      %dma_start3A_45 = tpu.memref_slice %arg4[%dma_start3A, %dma_start3A_44] : memref<10000x16xf32, #tpu.memory_space<hbm>> -> memref<10000x16xf32, #tpu.memory_space<hbm>>
      tpu.enqueue_indirect_dma source(%dma_start3A_45 : memref<10000x16xf32, #tpu.memory_space<hbm>>) target(%arg8 : memref<80x16xf32, #tpu.memory_space<vmem>>) offsets(%arg6 : memref<80xi32, #tpu.memory_space<vmem>>) semaphore(%arg11 : memref<!tpu.dma_semaphore, #tpu.memory_space<semaphore_mem>>)
      %dma_wait3A = arith.constant 0 : i32
      %dma_wait3A_46 = arith.constant 0 : i32
      %dma_wait3A_47 = tpu.memref_slice %arg4[%dma_wait3A, %dma_wait3A_46] : memref<10000x16xf32, #tpu.memory_space<hbm>> -> memref<10000x16xf32, #tpu.memory_space<hbm>>
      tpu.wait_indirect_dma semaphore(%arg11 : memref<!tpu.dma_semaphore, #tpu.memory_space<semaphore_mem>>) src(%dma_wait3A_47 : memref<10000x16xf32, #tpu.memory_space<hbm>>) dst(%arg8 : memref<80x16xf32, #tpu.memory_space<vmem>>)
      "tpu.region"() ({
        %run_scoped3A = tpu.sem_alloc : memref<!tpu.dma_semaphore, #tpu.memory_space<semaphore_mem>>
        %dma_start3A_49 = arith.constant 0 : i32
        %dma_start3A_50 = arith.constant 0 : i32
        %dma_start3A_51 = tpu.memref_slice %arg10[%dma_start3A_49, %dma_start3A_50] : memref<10240x16xf32, #tpu.memory_space<vmem_shared>> -> memref<10240x16xf32, #tpu.memory_space<vmem_shared>>
        tpu.enqueue_indirect_dma source(%arg8 : memref<80x16xf32, #tpu.memory_space<vmem>>) target(%dma_start3A_51 : memref<10240x16xf32, #tpu.memory_space<vmem_shared>>) offsets(%arg7 : memref<80xi32, #tpu.memory_space<vmem>>) semaphore(%run_scoped3A : memref<!tpu.dma_semaphore, #tpu.memory_space<semaphore_mem>>) {add = true}
        %dma_wait3A_52 = arith.constant 0 : i32
        %dma_wait3A_53 = arith.constant 0 : i32
        %dma_wait3A_54 = tpu.memref_slice %arg10[%dma_wait3A_52, %dma_wait3A_53] : memref<10240x16xf32, #tpu.memory_space<vmem_shared>> -> memref<10240x16xf32, #tpu.memory_space<vmem_shared>>
        tpu.wait_indirect_dma semaphore(%run_scoped3A : memref<!tpu.dma_semaphore, #tpu.memory_space<semaphore_mem>>) src(%arg8 : memref<80x16xf32, #tpu.memory_space<vmem>>) dst(%dma_wait3A_54 : memref<10240x16xf32, #tpu.memory_space<vmem_shared>>)
        tpu.yield
      }) : () -> ()
      %scan3A_48 = arith.constant 0 : i32
      scf.yield %scan3A_48 : i32
    }
    %scan3A_35 = arith.constant 125 : i32
    %barrier3A_36 = arith.constant 0 : index
    tpu.barrier barrier_id(%barrier3A_36)
    %mul3A_37 = arith.constant 640 : i32
    %mul3A_38 = arith.muli %arg1, %mul3A_37 : i32
    "tpu.region"() ({
      %run_scoped3A = tpu.sem_alloc : memref<!tpu.dma_semaphore, #tpu.memory_space<semaphore_mem>>
      %dma_start3A = arith.constant 0 : i32
      %dma_start3A_39 = tpu.memref_slice %arg5[%arg0, %mul3A_38, %dma_start3A] : memref<2x10240x16xf32, #tpu.memory_space<hbm>> -> memref<1x640x16xf32, #tpu.memory_space<hbm>>
      %dma_start3A_40 = tpu.memref_squeeze %dma_start3A_39 : memref<1x640x16xf32, #tpu.memory_space<hbm>> -> memref<640x16xf32, #tpu.memory_space<hbm>>
      %dma_start3A_41 = arith.constant 0 : i32
      %dma_start3A_42 = tpu.memref_slice %arg10[%mul3A_38, %dma_start3A_41] : memref<10240x16xf32, #tpu.memory_space<vmem_shared>> -> memref<640x16xf32, #tpu.memory_space<vmem_shared>>
      tpu.enqueue_dma source(%dma_start3A_42 : memref<640x16xf32, #tpu.memory_space<vmem_shared>>) target(%dma_start3A_40 : memref<640x16xf32, #tpu.memory_space<hbm>>) target_semaphore(%run_scoped3A : memref<!tpu.dma_semaphore, #tpu.memory_space<semaphore_mem>>)
      %dma_wait3A = arith.constant 0 : i32
      %dma_wait3A_43 = tpu.memref_slice %arg5[%arg0, %mul3A_38, %dma_wait3A] : memref<2x10240x16xf32, #tpu.memory_space<hbm>> -> memref<1x640x16xf32, #tpu.memory_space<hbm>>
      %dma_wait3A_44 = tpu.memref_squeeze %dma_wait3A_43 : memref<1x640x16xf32, #tpu.memory_space<hbm>> -> memref<640x16xf32, #tpu.memory_space<hbm>>
      %dma_wait3A_45 = arith.constant 0 : i32
      %dma_wait3A_46 = tpu.memref_slice %arg10[%mul3A_38, %dma_wait3A_45] : memref<10240x16xf32, #tpu.memory_space<vmem_shared>> -> memref<640x16xf32, #tpu.memory_space<vmem_shared>>
      tpu.wait_dma2 semaphore(%run_scoped3A : memref<!tpu.dma_semaphore, #tpu.memory_space<semaphore_mem>>) src(%dma_wait3A_46 : memref<640x16xf32, #tpu.memory_space<vmem_shared>>) dst(%dma_wait3A_44 : memref<640x16xf32, #tpu.memory_space<hbm>>)
      tpu.yield
    }) : () -> ()
    return
  }
}

#map = affine_map<(d0, d1) -> (0)>
#map1 = affine_map<(d0, d1) -> (0, 0, 0)>
module attributes {stable_mosaic.version = 14 : i64} {
  func.func @deg_kernel(%arg0: i32, %arg1: i32, %arg2: memref<320000xi32, #tpu.memory_space<hbm>>, %arg3: memref<2x10240x16xf32, #tpu.memory_space<hbm>>, %arg4: memref<80xi32, #tpu.memory_space<vmem>>, %arg5: memref<80x16xf32, #tpu.memory_space<vmem>>, %arg6: memref<128x16xf32, #tpu.memory_space<vmem>>, %arg7: memref<10240x16xf32, #tpu.memory_space<vmem_shared>>) attributes {dimension_semantics = [#tpu.dimension_semantics<core_parallel>, #tpu.dimension_semantics<subcore_parallel>], iteration_bounds = array<i64: 2, 16>, scalar_prefetch = 0 : i64, scratch_operands = 4 : i64, tpu.core_type = #tpu.core_type<sc_vector_subcore>, window_params = [{transform_indices = #map}, {transform_indices = #map1}]} {
    %mul3A = arith.constant 16 : i32
    %mul3A_0 = arith.muli %arg0, %mul3A : i32
    %add3A = arith.addi %mul3A_0, %arg1 : i32
    %scan3A = arith.constant 0 : i32
    %scan3A_1 = arith.constant 0 : i32
    %scan3A_2 = arith.constant 128 : i32
    %scan3A_3 = arith.addi %scan3A_1, %scan3A_2 : i32
    %scan3A_4 = arith.constant 1 : i32
    %scan3A_5 = scf.for %scan3A_46 = %scan3A_1 to %scan3A_3 step %scan3A_4 iter_args(%scan3A_47 = %scan3A) -> (i32)  : i32 {
      %broadcast_in_dim3A = arith.constant 0.000000e+00 : f32
      %broadcast_in_dim3A_48 = vector.broadcast %broadcast_in_dim3A : f32 to vector<16xf32>
      %swap3A = arith.index_cast %scan3A_46 : i32 to index
      %swap3A_49 = arith.constant 0 : index
      %swap3A_50 = tpu.vector_load %arg6[%swap3A, %swap3A_49] {strides = array<i32>} : memref<128x16xf32, #tpu.memory_space<vmem>>, vector<1x16xf32>,
      %swap3A_51 = vector.shape_cast %swap3A_50 : vector<1x16xf32> to vector<16xf32>
      %swap3A_52 = vector.shape_cast %broadcast_in_dim3A_48 : vector<16xf32> to vector<1x16xf32>
      tpu.vector_store %arg6[%swap3A, %swap3A_49], %swap3A_52 {strides = array<i32>} : memref<128x16xf32, #tpu.memory_space<vmem>>, vector<1x16xf32>,
      %scan3A_53 = arith.constant 0 : i32
      scf.yield %scan3A_53 : i32
    }
    %scan3A_6 = arith.constant 128 : i32
    %scan3A_7 = arith.constant 0 : i32
    %scan3A_8 = arith.constant 0 : i32
    %scan3A_9 = arith.constant 80 : i32
    %scan3A_10 = arith.addi %scan3A_8, %scan3A_9 : i32
    %scan3A_11 = arith.constant 1 : i32
    %scan3A_12 = scf.for %scan3A_46 = %scan3A_8 to %scan3A_10 step %scan3A_11 iter_args(%scan3A_47 = %scan3A_7) -> (i32)  : i32 {
      %broadcast_in_dim3A = arith.constant 1.000000e+00 : f32
      %broadcast_in_dim3A_48 = vector.broadcast %broadcast_in_dim3A : f32 to vector<16xf32>
      %swap3A = arith.index_cast %scan3A_46 : i32 to index
      %swap3A_49 = arith.constant 0 : index
      %swap3A_50 = tpu.vector_load %arg5[%swap3A, %swap3A_49] {strides = array<i32>} : memref<80x16xf32, #tpu.memory_space<vmem>>, vector<1x16xf32>,
      %swap3A_51 = vector.shape_cast %swap3A_50 : vector<1x16xf32> to vector<16xf32>
      %swap3A_52 = vector.shape_cast %broadcast_in_dim3A_48 : vector<16xf32> to vector<1x16xf32>
      tpu.vector_store %arg5[%swap3A, %swap3A_49], %swap3A_52 {strides = array<i32>} : memref<80x16xf32, #tpu.memory_space<vmem>>, vector<1x16xf32>,
      %scan3A_53 = arith.constant 0 : i32
      scf.yield %scan3A_53 : i32
    }
    %scan3A_13 = arith.constant 80 : i32
    %mul3A_14 = arith.constant 640 : i32
    %mul3A_15 = arith.muli %arg1, %mul3A_14 : i32
    %add3A_16 = arith.constant 0 : i32
    %add3A_17 = arith.addi %mul3A_15, %add3A_16 : i32
    "tpu.region"() ({
      %run_scoped3A = tpu.sem_alloc : memref<!tpu.dma_semaphore, #tpu.memory_space<semaphore_mem>>
      %dma_start3A = arith.constant 0 : i32
      %dma_start3A_46 = tpu.memref_slice %arg7[%add3A_17, %dma_start3A] : memref<10240x16xf32, #tpu.memory_space<vmem_shared>> -> memref<128x16xf32, #tpu.memory_space<vmem_shared>>
      %dma_start3A_47 = arith.constant 0 : i32
      %dma_start3A_48 = tpu.memref_slice %arg7[%add3A_17, %dma_start3A_47] : memref<10240x16xf32, #tpu.memory_space<vmem_shared>> -> memref<128x16xf32, #tpu.memory_space<vmem_shared>>
      tpu.enqueue_dma source(%arg6 : memref<128x16xf32, #tpu.memory_space<vmem>>) target(%dma_start3A_48 : memref<128x16xf32, #tpu.memory_space<vmem_shared>>) target_semaphore(%run_scoped3A : memref<!tpu.dma_semaphore, #tpu.memory_space<semaphore_mem>>)
      %dma_wait3A = arith.constant 0 : i32
      %dma_wait3A_49 = tpu.memref_slice %arg7[%add3A_17, %dma_wait3A] : memref<10240x16xf32, #tpu.memory_space<vmem_shared>> -> memref<128x16xf32, #tpu.memory_space<vmem_shared>>
      %dma_wait3A_50 = arith.constant 0 : i32
      %dma_wait3A_51 = tpu.memref_slice %arg7[%add3A_17, %dma_wait3A_50] : memref<10240x16xf32, #tpu.memory_space<vmem_shared>> -> memref<128x16xf32, #tpu.memory_space<vmem_shared>>
      tpu.wait_dma2 semaphore(%run_scoped3A : memref<!tpu.dma_semaphore, #tpu.memory_space<semaphore_mem>>) src(%arg6 : memref<128x16xf32, #tpu.memory_space<vmem>>) dst(%dma_wait3A_51 : memref<128x16xf32, #tpu.memory_space<vmem_shared>>)
      tpu.yield
    }) : () -> ()
    %mul3A_18 = arith.constant 640 : i32
    %mul3A_19 = arith.muli %arg1, %mul3A_18 : i32
    %add3A_20 = arith.constant 128 : i32
    %add3A_21 = arith.addi %mul3A_19, %add3A_20 : i32
    "tpu.region"() ({
      %run_scoped3A = tpu.sem_alloc : memref<!tpu.dma_semaphore, #tpu.memory_space<semaphore_mem>>
      %dma_start3A = arith.constant 0 : i32
      %dma_start3A_46 = tpu.memref_slice %arg7[%add3A_21, %dma_start3A] : memref<10240x16xf32, #tpu.memory_space<vmem_shared>> -> memref<128x16xf32, #tpu.memory_space<vmem_shared>>
      %dma_start3A_47 = arith.constant 0 : i32
      %dma_start3A_48 = tpu.memref_slice %arg7[%add3A_21, %dma_start3A_47] : memref<10240x16xf32, #tpu.memory_space<vmem_shared>> -> memref<128x16xf32, #tpu.memory_space<vmem_shared>>
      tpu.enqueue_dma source(%arg6 : memref<128x16xf32, #tpu.memory_space<vmem>>) target(%dma_start3A_48 : memref<128x16xf32, #tpu.memory_space<vmem_shared>>) target_semaphore(%run_scoped3A : memref<!tpu.dma_semaphore, #tpu.memory_space<semaphore_mem>>)
      %dma_wait3A = arith.constant 0 : i32
      %dma_wait3A_49 = tpu.memref_slice %arg7[%add3A_21, %dma_wait3A] : memref<10240x16xf32, #tpu.memory_space<vmem_shared>> -> memref<128x16xf32, #tpu.memory_space<vmem_shared>>
      %dma_wait3A_50 = arith.constant 0 : i32
      %dma_wait3A_51 = tpu.memref_slice %arg7[%add3A_21, %dma_wait3A_50] : memref<10240x16xf32, #tpu.memory_space<vmem_shared>> -> memref<128x16xf32, #tpu.memory_space<vmem_shared>>
      tpu.wait_dma2 semaphore(%run_scoped3A : memref<!tpu.dma_semaphore, #tpu.memory_space<semaphore_mem>>) src(%arg6 : memref<128x16xf32, #tpu.memory_space<vmem>>) dst(%dma_wait3A_51 : memref<128x16xf32, #tpu.memory_space<vmem_shared>>)
      tpu.yield
    }) : () -> ()
    %mul3A_22 = arith.constant 640 : i32
    %mul3A_23 = arith.muli %arg1, %mul3A_22 : i32
    %add3A_24 = arith.constant 256 : i32
    %add3A_25 = arith.addi %mul3A_23, %add3A_24 : i32
    "tpu.region"() ({
      %run_scoped3A = tpu.sem_alloc : memref<!tpu.dma_semaphore, #tpu.memory_space<semaphore_mem>>
      %dma_start3A = arith.constant 0 : i32
      %dma_start3A_46 = tpu.memref_slice %arg7[%add3A_25, %dma_start3A] : memref<10240x16xf32, #tpu.memory_space<vmem_shared>> -> memref<128x16xf32, #tpu.memory_space<vmem_shared>>
      %dma_start3A_47 = arith.constant 0 : i32
      %dma_start3A_48 = tpu.memref_slice %arg7[%add3A_25, %dma_start3A_47] : memref<10240x16xf32, #tpu.memory_space<vmem_shared>> -> memref<128x16xf32, #tpu.memory_space<vmem_shared>>
      tpu.enqueue_dma source(%arg6 : memref<128x16xf32, #tpu.memory_space<vmem>>) target(%dma_start3A_48 : memref<128x16xf32, #tpu.memory_space<vmem_shared>>) target_semaphore(%run_scoped3A : memref<!tpu.dma_semaphore, #tpu.memory_space<semaphore_mem>>)
      %dma_wait3A = arith.constant 0 : i32
      %dma_wait3A_49 = tpu.memref_slice %arg7[%add3A_25, %dma_wait3A] : memref<10240x16xf32, #tpu.memory_space<vmem_shared>> -> memref<128x16xf32, #tpu.memory_space<vmem_shared>>
      %dma_wait3A_50 = arith.constant 0 : i32
      %dma_wait3A_51 = tpu.memref_slice %arg7[%add3A_25, %dma_wait3A_50] : memref<10240x16xf32, #tpu.memory_space<vmem_shared>> -> memref<128x16xf32, #tpu.memory_space<vmem_shared>>
      tpu.wait_dma2 semaphore(%run_scoped3A : memref<!tpu.dma_semaphore, #tpu.memory_space<semaphore_mem>>) src(%arg6 : memref<128x16xf32, #tpu.memory_space<vmem>>) dst(%dma_wait3A_51 : memref<128x16xf32, #tpu.memory_space<vmem_shared>>)
      tpu.yield
    }) : () -> ()
    %mul3A_26 = arith.constant 640 : i32
    %mul3A_27 = arith.muli %arg1, %mul3A_26 : i32
    %add3A_28 = arith.constant 384 : i32
    %add3A_29 = arith.addi %mul3A_27, %add3A_28 : i32
    "tpu.region"() ({
      %run_scoped3A = tpu.sem_alloc : memref<!tpu.dma_semaphore, #tpu.memory_space<semaphore_mem>>
      %dma_start3A = arith.constant 0 : i32
      %dma_start3A_46 = tpu.memref_slice %arg7[%add3A_29, %dma_start3A] : memref<10240x16xf32, #tpu.memory_space<vmem_shared>> -> memref<128x16xf32, #tpu.memory_space<vmem_shared>>
      %dma_start3A_47 = arith.constant 0 : i32
      %dma_start3A_48 = tpu.memref_slice %arg7[%add3A_29, %dma_start3A_47] : memref<10240x16xf32, #tpu.memory_space<vmem_shared>> -> memref<128x16xf32, #tpu.memory_space<vmem_shared>>
      tpu.enqueue_dma source(%arg6 : memref<128x16xf32, #tpu.memory_space<vmem>>) target(%dma_start3A_48 : memref<128x16xf32, #tpu.memory_space<vmem_shared>>) target_semaphore(%run_scoped3A : memref<!tpu.dma_semaphore, #tpu.memory_space<semaphore_mem>>)
      %dma_wait3A = arith.constant 0 : i32
      %dma_wait3A_49 = tpu.memref_slice %arg7[%add3A_29, %dma_wait3A] : memref<10240x16xf32, #tpu.memory_space<vmem_shared>> -> memref<128x16xf32, #tpu.memory_space<vmem_shared>>
      %dma_wait3A_50 = arith.constant 0 : i32
      %dma_wait3A_51 = tpu.memref_slice %arg7[%add3A_29, %dma_wait3A_50] : memref<10240x16xf32, #tpu.memory_space<vmem_shared>> -> memref<128x16xf32, #tpu.memory_space<vmem_shared>>
      tpu.wait_dma2 semaphore(%run_scoped3A : memref<!tpu.dma_semaphore, #tpu.memory_space<semaphore_mem>>) src(%arg6 : memref<128x16xf32, #tpu.memory_space<vmem>>) dst(%dma_wait3A_51 : memref<128x16xf32, #tpu.memory_space<vmem_shared>>)
      tpu.yield
    }) : () -> ()
    %mul3A_30 = arith.constant 640 : i32
    %mul3A_31 = arith.muli %arg1, %mul3A_30 : i32
    %add3A_32 = arith.constant 512 : i32
    %add3A_33 = arith.addi %mul3A_31, %add3A_32 : i32
    "tpu.region"() ({
      %run_scoped3A = tpu.sem_alloc : memref<!tpu.dma_semaphore, #tpu.memory_space<semaphore_mem>>
      %dma_start3A = arith.constant 0 : i32
      %dma_start3A_46 = tpu.memref_slice %arg7[%add3A_33, %dma_start3A] : memref<10240x16xf32, #tpu.memory_space<vmem_shared>> -> memref<128x16xf32, #tpu.memory_space<vmem_shared>>
      %dma_start3A_47 = arith.constant 0 : i32
      %dma_start3A_48 = tpu.memref_slice %arg7[%add3A_33, %dma_start3A_47] : memref<10240x16xf32, #tpu.memory_space<vmem_shared>> -> memref<128x16xf32, #tpu.memory_space<vmem_shared>>
      tpu.enqueue_dma source(%arg6 : memref<128x16xf32, #tpu.memory_space<vmem>>) target(%dma_start3A_48 : memref<128x16xf32, #tpu.memory_space<vmem_shared>>) target_semaphore(%run_scoped3A : memref<!tpu.dma_semaphore, #tpu.memory_space<semaphore_mem>>)
      %dma_wait3A = arith.constant 0 : i32
      %dma_wait3A_49 = tpu.memref_slice %arg7[%add3A_33, %dma_wait3A] : memref<10240x16xf32, #tpu.memory_space<vmem_shared>> -> memref<128x16xf32, #tpu.memory_space<vmem_shared>>
      %dma_wait3A_50 = arith.constant 0 : i32
      %dma_wait3A_51 = tpu.memref_slice %arg7[%add3A_33, %dma_wait3A_50] : memref<10240x16xf32, #tpu.memory_space<vmem_shared>> -> memref<128x16xf32, #tpu.memory_space<vmem_shared>>
      tpu.wait_dma2 semaphore(%run_scoped3A : memref<!tpu.dma_semaphore, #tpu.memory_space<semaphore_mem>>) src(%arg6 : memref<128x16xf32, #tpu.memory_space<vmem>>) dst(%dma_wait3A_51 : memref<128x16xf32, #tpu.memory_space<vmem_shared>>)
      tpu.yield
    }) : () -> ()
    %barrier3A = arith.constant 0 : index
    tpu.barrier barrier_id(%barrier3A)
    %mul3A_34 = arith.constant 10000 : i32
    %mul3A_35 = arith.muli %add3A, %mul3A_34 : i32
    %scan3A_36 = arith.constant 0 : i32
    %scan3A_37 = arith.constant 0 : i32
    %scan3A_38 = arith.constant 125 : i32
    %scan3A_39 = arith.addi %scan3A_37, %scan3A_38 : i32
    %scan3A_40 = arith.constant 1 : i32
    %scan3A_41 = scf.for %scan3A_46 = %scan3A_37 to %scan3A_39 step %scan3A_40 iter_args(%scan3A_47 = %scan3A_36) -> (i32)  : i32 {
      %mul3A_48 = arith.constant 80 : i32
      %mul3A_49 = arith.muli %scan3A_46, %mul3A_48 : i32
      %add3A_50 = arith.addi %mul3A_35, %mul3A_49 : i32
      "tpu.region"() ({
        %run_scoped3A = tpu.sem_alloc : memref<!tpu.dma_semaphore, #tpu.memory_space<semaphore_mem>>
        %dma_start3A = tpu.memref_slice %arg2[%add3A_50] : memref<320000xi32, #tpu.memory_space<hbm>> -> memref<80xi32, #tpu.memory_space<hbm>>
        %dma_start3A_52 = tpu.memref_slice %arg2[%add3A_50] : memref<320000xi32, #tpu.memory_space<hbm>> -> memref<80xi32, #tpu.memory_space<hbm>>
        tpu.enqueue_dma source(%dma_start3A_52 : memref<80xi32, #tpu.memory_space<hbm>>) target(%arg4 : memref<80xi32, #tpu.memory_space<vmem>>) target_semaphore(%run_scoped3A : memref<!tpu.dma_semaphore, #tpu.memory_space<semaphore_mem>>)
        %dma_wait3A = tpu.memref_slice %arg2[%add3A_50] : memref<320000xi32, #tpu.memory_space<hbm>> -> memref<80xi32, #tpu.memory_space<hbm>>
        %dma_wait3A_53 = tpu.memref_slice %arg2[%add3A_50] : memref<320000xi32, #tpu.memory_space<hbm>> -> memref<80xi32, #tpu.memory_space<hbm>>
        tpu.wait_dma2 semaphore(%run_scoped3A : memref<!tpu.dma_semaphore, #tpu.memory_space<semaphore_mem>>) src(%dma_wait3A_53 : memref<80xi32, #tpu.memory_space<hbm>>) dst(%arg4 : memref<80xi32, #tpu.memory_space<vmem>>)
        tpu.yield
      }) : () -> ()
      "tpu.region"() ({
        %run_scoped3A = tpu.sem_alloc : memref<!tpu.dma_semaphore, #tpu.memory_space<semaphore_mem>>
        %dma_start3A = arith.constant 0 : i32
        %dma_start3A_52 = arith.constant 0 : i32
        %dma_start3A_53 = tpu.memref_slice %arg7[%dma_start3A, %dma_start3A_52] : memref<10240x16xf32, #tpu.memory_space<vmem_shared>> -> memref<10240x16xf32, #tpu.memory_space<vmem_shared>>
        tpu.enqueue_indirect_dma source(%arg5 : memref<80x16xf32, #tpu.memory_space<vmem>>) target(%dma_start3A_53 : memref<10240x16xf32, #tpu.memory_space<vmem_shared>>) offsets(%arg4 : memref<80xi32, #tpu.memory_space<vmem>>) semaphore(%run_scoped3A : memref<!tpu.dma_semaphore, #tpu.memory_space<semaphore_mem>>) {add = true}
        %dma_wait3A = arith.constant 0 : i32
        %dma_wait3A_54 = arith.constant 0 : i32
        %dma_wait3A_55 = tpu.memref_slice %arg7[%dma_wait3A, %dma_wait3A_54] : memref<10240x16xf32, #tpu.memory_space<vmem_shared>> -> memref<10240x16xf32, #tpu.memory_space<vmem_shared>>
        tpu.wait_indirect_dma semaphore(%run_scoped3A : memref<!tpu.dma_semaphore, #tpu.memory_space<semaphore_mem>>) src(%arg5 : memref<80x16xf32, #tpu.memory_space<vmem>>) dst(%dma_wait3A_55 : memref<10240x16xf32, #tpu.memory_space<vmem_shared>>)
        tpu.yield
      }) : () -> ()
      %scan3A_51 = arith.constant 0 : i32
      scf.yield %scan3A_51 : i32
    }
    %scan3A_42 = arith.constant 125 : i32
    %barrier3A_43 = arith.constant 0 : index
    tpu.barrier barrier_id(%barrier3A_43)
    %mul3A_44 = arith.constant 640 : i32
    %mul3A_45 = arith.muli %arg1, %mul3A_44 : i32
    "tpu.region"() ({
      %run_scoped3A = tpu.sem_alloc : memref<!tpu.dma_semaphore, #tpu.memory_space<semaphore_mem>>
      %dma_start3A = arith.constant 0 : i32
      %dma_start3A_46 = tpu.memref_slice %arg3[%arg0, %mul3A_45, %dma_start3A] : memref<2x10240x16xf32, #tpu.memory_space<hbm>> -> memref<1x640x16xf32, #tpu.memory_space<hbm>>
      %dma_start3A_47 = tpu.memref_squeeze %dma_start3A_46 : memref<1x640x16xf32, #tpu.memory_space<hbm>> -> memref<640x16xf32, #tpu.memory_space<hbm>>
      %dma_start3A_48 = arith.constant 0 : i32
      %dma_start3A_49 = tpu.memref_slice %arg7[%mul3A_45, %dma_start3A_48] : memref<10240x16xf32, #tpu.memory_space<vmem_shared>> -> memref<640x16xf32, #tpu.memory_space<vmem_shared>>
      tpu.enqueue_dma source(%dma_start3A_49 : memref<640x16xf32, #tpu.memory_space<vmem_shared>>) target(%dma_start3A_47 : memref<640x16xf32, #tpu.memory_space<hbm>>) target_semaphore(%run_scoped3A : memref<!tpu.dma_semaphore, #tpu.memory_space<semaphore_mem>>)
      %dma_wait3A = arith.constant 0 : i32
      %dma_wait3A_50 = tpu.memref_slice %arg3[%arg0, %mul3A_45, %dma_wait3A] : memref<2x10240x16xf32, #tpu.memory_space<hbm>> -> memref<1x640x16xf32, #tpu.memory_space<hbm>>
      %dma_wait3A_51 = tpu.memref_squeeze %dma_wait3A_50 : memref<1x640x16xf32, #tpu.memory_space<hbm>> -> memref<640x16xf32, #tpu.memory_space<hbm>>
      %dma_wait3A_52 = arith.constant 0 : i32
      %dma_wait3A_53 = tpu.memref_slice %arg7[%mul3A_45, %dma_wait3A_52] : memref<10240x16xf32, #tpu.memory_space<vmem_shared>> -> memref<640x16xf32, #tpu.memory_space<vmem_shared>>
      tpu.wait_dma2 semaphore(%run_scoped3A : memref<!tpu.dma_semaphore, #tpu.memory_space<semaphore_mem>>) src(%dma_wait3A_53 : memref<640x16xf32, #tpu.memory_space<vmem_shared>>) dst(%dma_wait3A_51 : memref<640x16xf32, #tpu.memory_space<hbm>>)
      tpu.yield
    }) : () -> ()
    return
  }
}

module attributes {stable_mosaic.version = 14 : i64} {
  func.func @body(%arg0: i32, %arg1: memref<1000x128xf32, #tpu.memory_space<vmem>>, %arg2: memref<128x128xf32, #tpu.memory_space<vmem>>, %arg3: memref<1000x16xf32, #tpu.memory_space<vmem>>, %arg4: memref<1000x16xf32, #tpu.memory_space<vmem>>, %arg5: memref<1000x128xf32, #tpu.memory_space<vmem>>) attributes {dimension_semantics = [#tpu.dimension_semantics<arbitrary>], iteration_bounds = array<i64: 10>, scalar_prefetch = 0 : i64, scratch_operands = 0 : i64, tpu.core_type = #tpu.core_type<tc>, window_params = [{transform_indices = @transform_0, window_bounds = array<i64: 1000, 128>}, {pipeline_mode = #tpu.pipeline_mode<synchronous>, transform_indices = @transform_1, window_bounds = array<i64: 128, 128>}, {transform_indices = @transform_2, window_bounds = array<i64: 1000, 16>}, {transform_indices = @transform_3, window_bounds = array<i64: 1000, 16>}, {transform_indices = @transform_4, window_bounds = array<i64: 1000, 128>}]} {
    %get3A = arith.constant 0 : index
    %get3A_0 = arith.constant 0 : index
    %get3A_1 = vector.load %arg3[%get3A, %get3A_0] : memref<1000x16xf32, #tpu.memory_space<vmem>>, vector<1000x1xf32>
    %get3A_2 = arith.constant 0 : index
    %get3A_3 = arith.constant 0 : index
    %get3A_4 = vector.load %arg4[%get3A_2, %get3A_3] : memref<1000x16xf32, #tpu.memory_space<vmem>>, vector<1000x1xf32>
    %add3A = arith.addf %get3A_1, %get3A_4 : vector<1000x1xf32>
    %add3A_5 = arith.constant 1.000000e+00 : f32
    %add3A_6 = vector.broadcast %add3A_5 : f32 to vector<1000x1xf32>
    %add3A_7 = arith.addf %add3A, %add3A_6 : vector<1000x1xf32>
    %rsqrt3A = math.rsqrt %add3A_7 : vector<1000x1xf32>
    %get3A_8 = arith.constant 0 : index
    %get3A_9 = arith.constant 0 : index
    %get3A_10 = vector.load %arg1[%get3A_8, %get3A_9] : memref<1000x128xf32, #tpu.memory_space<vmem>>, vector<1000x128xf32>
    %get3A_11 = arith.constant 0 : index
    %get3A_12 = arith.constant 0 : index
    %get3A_13 = vector.load %arg2[%get3A_11, %get3A_12] : memref<128x128xf32, #tpu.memory_space<vmem>>, vector<128x128xf32>
    %dot_general3A = arith.constant dense<0.000000e+00> : vector<1000x128xf32>
    %dot_general3A_14 = tpu.matmul %get3A_10, %get3A_13, %dot_general3A {dimension_numbers = #tpu.dot_dimension_numbers<[1], [0], [0], [1], [0, 0, 1, 1], [], []>, transpose_lhs_hint = false} : vector<1000x128xf32>, vector<128x128xf32>, vector<1000x128xf32> -> vector<1000x128xf32>
    %mul3A = vector.broadcast %rsqrt3A : vector<1000x1xf32> to vector<1000x128xf32>
    %mul3A_15 = arith.mulf %dot_general3A_14, %mul3A : vector<1000x128xf32>
    %swap3A = arith.constant 0 : index
    %swap3A_16 = arith.constant 0 : index
    %swap3A_17 = vector.load %arg5[%swap3A, %swap3A_16] : memref<1000x128xf32, #tpu.memory_space<vmem>>, vector<1000x128xf32>
    tpu.vector_store %arg5[%swap3A, %swap3A_16], %mul3A_15 {strides = array<i32>} : memref<1000x128xf32, #tpu.memory_space<vmem>>, vector<1000x128xf32>,
    return
  }
  func.func @transform_0(%arg0: i32) -> (i32, i32) {
    %c0_i32 = arith.constant 0 : i32
    %c0_i32_0 = arith.constant 0 : i32
    return %arg0, %c0_i32 : i32, i32
  }
  func.func @transform_1(%arg0: i32) -> (i32, i32) {
    %c0_i32 = arith.constant 0 : i32
    %c0_i32_0 = arith.constant 0 : i32
    %c0_i32_1 = arith.constant 0 : i32
    return %c0_i32, %c0_i32_0 : i32, i32
  }
  func.func @transform_2(%arg0: i32) -> (i32, i32) {
    %c0_i32 = arith.constant 0 : i32
    %c0_i32_0 = arith.constant 0 : i32
    return %arg0, %c0_i32 : i32, i32
  }
  func.func @transform_3(%arg0: i32) -> (i32, i32) {
    %c0_i32 = arith.constant 0 : i32
    %c0_i32_0 = arith.constant 0 : i32
    return %arg0, %c0_i32 : i32, i32
  }
  func.func @transform_4(%arg0: i32) -> (i32, i32) {
    %c0_i32 = arith.constant 0 : i32
    %c0_i32_0 = arith.constant 0 : i32
    return %arg0, %c0_i32 : i32, i32
  }
}

module attributes {stable_mosaic.version = 14 : i64} {
  func.func @body(%arg0: i32, %arg1: memref<1000x128xf32, #tpu.memory_space<vmem>>, %arg2: memref<1000x128xf32, #tpu.memory_space<vmem>>, %arg3: memref<1000x128xf32, #tpu.memory_space<vmem>>, %arg4: memref<1000x16xf32, #tpu.memory_space<vmem>>, %arg5: memref<1000x16xf32, #tpu.memory_space<vmem>>, %arg6: memref<1x128xf32, #tpu.memory_space<vmem>>, %arg7: memref<128x16xf32, #tpu.memory_space<vmem>>, %arg8: memref<1000x16xf32, #tpu.memory_space<vmem>>) attributes {dimension_semantics = [#tpu.dimension_semantics<arbitrary>], iteration_bounds = array<i64: 10>, scalar_prefetch = 0 : i64, scratch_operands = 0 : i64, tpu.core_type = #tpu.core_type<tc>, window_params = [{transform_indices = @transform_0, window_bounds = array<i64: 1000, 128>}, {transform_indices = @transform_1, window_bounds = array<i64: 1000, 128>}, {transform_indices = @transform_2, window_bounds = array<i64: 1000, 128>}, {transform_indices = @transform_3, window_bounds = array<i64: 1000, 16>}, {transform_indices = @transform_4, window_bounds = array<i64: 1000, 16>}, {pipeline_mode = #tpu.pipeline_mode<synchronous>, transform_indices = @transform_5, window_bounds = array<i64: 1, 128>}, {pipeline_mode = #tpu.pipeline_mode<synchronous>, transform_indices = @transform_6, window_bounds = array<i64: 128, 16>}, {transform_indices = @transform_7, window_bounds = array<i64: 1000, 16>}]} {
    %get3A = arith.constant 0 : index
    %get3A_0 = arith.constant 0 : index
    %get3A_1 = vector.load %arg4[%get3A, %get3A_0] : memref<1000x16xf32, #tpu.memory_space<vmem>>, vector<1000x1xf32>
    %get3A_2 = arith.constant 0 : index
    %get3A_3 = arith.constant 0 : index
    %get3A_4 = vector.load %arg5[%get3A_2, %get3A_3] : memref<1000x16xf32, #tpu.memory_space<vmem>>, vector<1000x1xf32>
    %add3A = arith.addf %get3A_1, %get3A_4 : vector<1000x1xf32>
    %add3A_5 = arith.constant 1.000000e+00 : f32
    %add3A_6 = vector.broadcast %add3A_5 : f32 to vector<1000x1xf32>
    %add3A_7 = arith.addf %add3A, %add3A_6 : vector<1000x1xf32>
    %rsqrt3A = math.rsqrt %add3A_7 : vector<1000x1xf32>
    %get3A_8 = arith.constant 0 : index
    %get3A_9 = arith.constant 0 : index
    %get3A_10 = vector.load %arg1[%get3A_8, %get3A_9] : memref<1000x128xf32, #tpu.memory_space<vmem>>, vector<1000x128xf32>
    %get3A_11 = arith.constant 0 : index
    %get3A_12 = arith.constant 0 : index
    %get3A_13 = vector.load %arg2[%get3A_11, %get3A_12] : memref<1000x128xf32, #tpu.memory_space<vmem>>, vector<1000x128xf32>
    %add3A_14 = arith.addf %get3A_10, %get3A_13 : vector<1000x128xf32>
    %get3A_15 = arith.constant 0 : index
    %get3A_16 = arith.constant 0 : index
    %get3A_17 = vector.load %arg3[%get3A_15, %get3A_16] : memref<1000x128xf32, #tpu.memory_space<vmem>>, vector<1000x128xf32>
    %add3A_18 = arith.addf %add3A_14, %get3A_17 : vector<1000x128xf32>
    %mul3A = vector.broadcast %rsqrt3A : vector<1000x1xf32> to vector<1000x128xf32>
    %mul3A_19 = arith.mulf %add3A_18, %mul3A : vector<1000x128xf32>
    %get3A_20 = arith.constant 0 : index
    %get3A_21 = arith.constant 0 : index
    %get3A_22 = vector.load %arg6[%get3A_20, %get3A_21] : memref<1x128xf32, #tpu.memory_space<vmem>>, vector<1x128xf32>
    %add3A_23 = vector.broadcast %get3A_22 : vector<1x128xf32> to vector<1000x128xf32>
    %add3A_24 = arith.addf %mul3A_19, %add3A_23 : vector<1000x128xf32>
    %max3A = arith.constant 0.000000e+00 : f32
    %max3A_25 = vector.broadcast %max3A : f32 to vector<1000x128xf32>
    %max3A_26 = arith.maximumf %add3A_24, %max3A_25 : vector<1000x128xf32>
    %get3A_27 = arith.constant 0 : index
    %get3A_28 = arith.constant 0 : index
    %get3A_29 = vector.load %arg7[%get3A_27, %get3A_28] : memref<128x16xf32, #tpu.memory_space<vmem>>, vector<128x16xf32>
    %dot_general3A = arith.constant dense<0.000000e+00> : vector<1000x16xf32>
    %dot_general3A_30 = tpu.matmul %max3A_26, %get3A_29, %dot_general3A {dimension_numbers = #tpu.dot_dimension_numbers<[1], [0], [0], [1], [0, 0, 1, 1], [], []>, transpose_lhs_hint = false} : vector<1000x128xf32>, vector<128x16xf32>, vector<1000x16xf32> -> vector<1000x16xf32>
    %mul3A_31 = vector.broadcast %rsqrt3A : vector<1000x1xf32> to vector<1000x16xf32>
    %mul3A_32 = arith.mulf %dot_general3A_30, %mul3A_31 : vector<1000x16xf32>
    %swap3A = arith.constant 0 : index
    %swap3A_33 = arith.constant 0 : index
    %swap3A_34 = vector.load %arg8[%swap3A, %swap3A_33] : memref<1000x16xf32, #tpu.memory_space<vmem>>, vector<1000x16xf32>
    tpu.vector_store %arg8[%swap3A, %swap3A_33], %mul3A_32 {strides = array<i32>} : memref<1000x16xf32, #tpu.memory_space<vmem>>, vector<1000x16xf32>,
    return
  }
  func.func @transform_0(%arg0: i32) -> (i32, i32) {
    %c0_i32 = arith.constant 0 : i32
    %c0_i32_0 = arith.constant 0 : i32
    return %arg0, %c0_i32 : i32, i32
  }
  func.func @transform_1(%arg0: i32) -> (i32, i32) {
    %c0_i32 = arith.constant 0 : i32
    %c0_i32_0 = arith.constant 0 : i32
    return %arg0, %c0_i32 : i32, i32
  }
  func.func @transform_2(%arg0: i32) -> (i32, i32) {
    %c0_i32 = arith.constant 0 : i32
    %c0_i32_0 = arith.constant 0 : i32
    return %arg0, %c0_i32 : i32, i32
  }
  func.func @transform_3(%arg0: i32) -> (i32, i32) {
    %c0_i32 = arith.constant 0 : i32
    %c0_i32_0 = arith.constant 0 : i32
    return %arg0, %c0_i32 : i32, i32
  }
  func.func @transform_4(%arg0: i32) -> (i32, i32) {
    %c0_i32 = arith.constant 0 : i32
    %c0_i32_0 = arith.constant 0 : i32
    return %arg0, %c0_i32 : i32, i32
  }
  func.func @transform_5(%arg0: i32) -> (i32, i32) {
    %c0_i32 = arith.constant 0 : i32
    %c0_i32_0 = arith.constant 0 : i32
    %c0_i32_1 = arith.constant 0 : i32
    return %c0_i32, %c0_i32_0 : i32, i32
  }
  func.func @transform_6(%arg0: i32) -> (i32, i32) {
    %c0_i32 = arith.constant 0 : i32
    %c0_i32_0 = arith.constant 0 : i32
    %c0_i32_1 = arith.constant 0 : i32
    return %c0_i32, %c0_i32_0 : i32, i32
  }
  func.func @transform_7(%arg0: i32) -> (i32, i32) {
    %c0_i32 = arith.constant 0 : i32
    %c0_i32_0 = arith.constant 0 : i32
    return %arg0, %c0_i32 : i32, i32
  }
}

module attributes {stable_mosaic.version = 14 : i64} {
  func.func @body(%arg0: i32, %arg1: memref<1000x16xf32, #tpu.memory_space<vmem>>, %arg2: memref<1000x16xf32, #tpu.memory_space<vmem>>, %arg3: memref<1000x16xf32, #tpu.memory_space<vmem>>, %arg4: memref<1000x16xf32, #tpu.memory_space<vmem>>, %arg5: memref<1000x16xf32, #tpu.memory_space<vmem>>, %arg6: memref<1x16xf32, #tpu.memory_space<vmem>>, %arg7: memref<16x9xf32, #tpu.memory_space<vmem>>, %arg8: memref<1x9xf32, #tpu.memory_space<vmem>>, %arg9: memref<1000x9xf32, #tpu.memory_space<vmem>>) attributes {dimension_semantics = [#tpu.dimension_semantics<arbitrary>], iteration_bounds = array<i64: 10>, scalar_prefetch = 0 : i64, scratch_operands = 0 : i64, tpu.core_type = #tpu.core_type<tc>, window_params = [{transform_indices = @transform_0, window_bounds = array<i64: 1000, 16>}, {transform_indices = @transform_1, window_bounds = array<i64: 1000, 16>}, {transform_indices = @transform_2, window_bounds = array<i64: 1000, 16>}, {transform_indices = @transform_3, window_bounds = array<i64: 1000, 16>}, {transform_indices = @transform_4, window_bounds = array<i64: 1000, 16>}, {pipeline_mode = #tpu.pipeline_mode<synchronous>, transform_indices = @transform_5, window_bounds = array<i64: 1, 16>}, {pipeline_mode = #tpu.pipeline_mode<synchronous>, transform_indices = @transform_6, window_bounds = array<i64: 16, 9>}, {pipeline_mode = #tpu.pipeline_mode<synchronous>, transform_indices = @transform_7, window_bounds = array<i64: 1, 9>}, {transform_indices = @transform_8, window_bounds = array<i64: 1000, 9>}]} {
    %get3A = arith.constant 0 : index
    %get3A_0 = arith.constant 0 : index
    %get3A_1 = vector.load %arg4[%get3A, %get3A_0] : memref<1000x16xf32, #tpu.memory_space<vmem>>, vector<1000x1xf32>
    %get3A_2 = arith.constant 0 : index
    %get3A_3 = arith.constant 0 : index
    %get3A_4 = vector.load %arg5[%get3A_2, %get3A_3] : memref<1000x16xf32, #tpu.memory_space<vmem>>, vector<1000x1xf32>
    %add3A = arith.addf %get3A_1, %get3A_4 : vector<1000x1xf32>
    %add3A_5 = arith.constant 1.000000e+00 : f32
    %add3A_6 = vector.broadcast %add3A_5 : f32 to vector<1000x1xf32>
    %add3A_7 = arith.addf %add3A, %add3A_6 : vector<1000x1xf32>
    %rsqrt3A = math.rsqrt %add3A_7 : vector<1000x1xf32>
    %get3A_8 = arith.constant 0 : index
    %get3A_9 = arith.constant 0 : index
    %get3A_10 = vector.load %arg1[%get3A_8, %get3A_9] : memref<1000x16xf32, #tpu.memory_space<vmem>>, vector<1000x16xf32>
    %get3A_11 = arith.constant 0 : index
    %get3A_12 = arith.constant 0 : index
    %get3A_13 = vector.load %arg2[%get3A_11, %get3A_12] : memref<1000x16xf32, #tpu.memory_space<vmem>>, vector<1000x16xf32>
    %add3A_14 = arith.addf %get3A_10, %get3A_13 : vector<1000x16xf32>
    %get3A_15 = arith.constant 0 : index
    %get3A_16 = arith.constant 0 : index
    %get3A_17 = vector.load %arg3[%get3A_15, %get3A_16] : memref<1000x16xf32, #tpu.memory_space<vmem>>, vector<1000x16xf32>
    %add3A_18 = arith.addf %add3A_14, %get3A_17 : vector<1000x16xf32>
    %mul3A = vector.broadcast %rsqrt3A : vector<1000x1xf32> to vector<1000x16xf32>
    %mul3A_19 = arith.mulf %add3A_18, %mul3A : vector<1000x16xf32>
    %get3A_20 = arith.constant 0 : index
    %get3A_21 = arith.constant 0 : index
    %get3A_22 = vector.load %arg6[%get3A_20, %get3A_21] : memref<1x16xf32, #tpu.memory_space<vmem>>, vector<1x16xf32>
    %add3A_23 = vector.broadcast %get3A_22 : vector<1x16xf32> to vector<1000x16xf32>
    %add3A_24 = arith.addf %mul3A_19, %add3A_23 : vector<1000x16xf32>
    %max3A = arith.constant 0.000000e+00 : f32
    %max3A_25 = vector.broadcast %max3A : f32 to vector<1000x16xf32>
    %max3A_26 = arith.maximumf %add3A_24, %max3A_25 : vector<1000x16xf32>
    %get3A_27 = arith.constant 0 : index
    %get3A_28 = arith.constant 0 : index
    %get3A_29 = vector.load %arg7[%get3A_27, %get3A_28] : memref<16x9xf32, #tpu.memory_space<vmem>>, vector<16x9xf32>
    %dot_general3A = arith.constant dense<0.000000e+00> : vector<1000x9xf32>
    %dot_general3A_30 = tpu.matmul %max3A_26, %get3A_29, %dot_general3A {dimension_numbers = #tpu.dot_dimension_numbers<[1], [0], [0], [1], [0, 0, 1, 1], [], []>, transpose_lhs_hint = false} : vector<1000x16xf32>, vector<16x9xf32>, vector<1000x9xf32> -> vector<1000x9xf32>
    %get3A_31 = arith.constant 0 : index
    %get3A_32 = arith.constant 0 : index
    %get3A_33 = vector.load %arg8[%get3A_31, %get3A_32] : memref<1x9xf32, #tpu.memory_space<vmem>>, vector<1x9xf32>
    %add3A_34 = vector.broadcast %get3A_33 : vector<1x9xf32> to vector<1000x9xf32>
    %add3A_35 = arith.addf %dot_general3A_30, %add3A_34 : vector<1000x9xf32>
    %swap3A = arith.constant 0 : index
    %swap3A_36 = arith.constant 0 : index
    %swap3A_37 = vector.load %arg9[%swap3A, %swap3A_36] : memref<1000x9xf32, #tpu.memory_space<vmem>>, vector<1000x9xf32>
    tpu.vector_store %arg9[%swap3A, %swap3A_36], %add3A_35 {strides = array<i32>} : memref<1000x9xf32, #tpu.memory_space<vmem>>, vector<1000x9xf32>,
    return
  }
  func.func @transform_0(%arg0: i32) -> (i32, i32) {
    %c0_i32 = arith.constant 0 : i32
    %c0_i32_0 = arith.constant 0 : i32
    return %arg0, %c0_i32 : i32, i32
  }
  func.func @transform_1(%arg0: i32) -> (i32, i32) {
    %c0_i32 = arith.constant 0 : i32
    %c0_i32_0 = arith.constant 0 : i32
    return %arg0, %c0_i32 : i32, i32
  }
  func.func @transform_2(%arg0: i32) -> (i32, i32) {
    %c0_i32 = arith.constant 0 : i32
    %c0_i32_0 = arith.constant 0 : i32
    return %arg0, %c0_i32 : i32, i32
  }
  func.func @transform_3(%arg0: i32) -> (i32, i32) {
    %c0_i32 = arith.constant 0 : i32
    %c0_i32_0 = arith.constant 0 : i32
    return %arg0, %c0_i32 : i32, i32
  }
  func.func @transform_4(%arg0: i32) -> (i32, i32) {
    %c0_i32 = arith.constant 0 : i32
    %c0_i32_0 = arith.constant 0 : i32
    return %arg0, %c0_i32 : i32, i32
  }
  func.func @transform_5(%arg0: i32) -> (i32, i32) {
    %c0_i32 = arith.constant 0 : i32
    %c0_i32_0 = arith.constant 0 : i32
    %c0_i32_1 = arith.constant 0 : i32
    return %c0_i32, %c0_i32_0 : i32, i32
  }
  func.func @transform_6(%arg0: i32) -> (i32, i32) {
    %c0_i32 = arith.constant 0 : i32
    %c0_i32_0 = arith.constant 0 : i32
    %c0_i32_1 = arith.constant 0 : i32
    return %c0_i32, %c0_i32_0 : i32, i32
  }
  func.func @transform_7(%arg0: i32) -> (i32, i32) {
    %c0_i32 = arith.constant 0 : i32
    %c0_i32_0 = arith.constant 0 : i32
    %c0_i32_1 = arith.constant 0 : i32
    return %c0_i32, %c0_i32_0 : i32, i32
  }
  func.func @transform_8(%arg0: i32) -> (i32, i32) {
    %c0_i32 = arith.constant 0 : i32
    %c0_i32_0 = arith.constant 0 : i32
    return %arg0, %c0_i32 : i32, i32
  }
}

</mosaic_0001>

<sc_bundles>
// kernel: kernel.11.cloned.1.call-start
scs
__scs_entry_jumppad:
0x0: {  	(pc) =	sbr.rel $0x88, $3  }
0x1: {  	(tag) =	ssettag $0x0;
	lr =	simm.s32 $0x1  }
0x2: {  	[smem:$0x3F99] =	sst lr;
	_ =	strace $0xD0000000  }
0x3: {  	_ = 	snop  }
0x4: {  	_ = 	snop  }
0x5: {  	_ = 	snop  }
0x6: {  	_ = 	snop  }
0x7: {  	_ = 	snop  }
__scs_overlays_trampoline_lowered:
0x8: {  	[smem:$0x3FA8] =	sst s0  }
0x9: {  	[smem:$0x3FA9] =	sst s1  }
0xa: {  	[smem:$0x3FAA] =	sst s2  }
0xb: {  	[smem:$0x3FAB] =	sst s3  }
0xc: {  	[smem:$0x3FAC] =	sst s4  }
0xd: {  	[smem:$0x3FAD] =	sst s5  }
0xe: {  	[smem:$0x3FAE] =	sst s6  }
0xf: {  	[smem:$0x3FAF] =	sst s7  }
0x10: {  	[smem:$0x3FB0] =	sst s8  }
0x11: {  	[smem:$0x3FB1] =	sst s9;
	s0 =	simm.s32 @!p0 $0x0  }
0x12: {  	s1 =	sld [smem:$0x3F97];
	s0 =	simm.s32 @p0 $0x1  }
0x13: {  	[smem:$0x3FB2] =	sst s0;
	s0 =	simm.s32 @!p1 $0x0  }
0x14: {  	s2 =	sld [smem:$0x3F96];
	s0 =	simm.s32 @p1 $0x1  }
0x15: {  	[smem:$0x3FB3] =	sst s0;
	s0 =	simm.s32 @!p2 $0x0  }
0x16: {  	s3 =	sld [smem:$0x3FDB];
	s0 =	simm.s32 @p2 $0x1  }
0x17: {  	s4 =	simm.s32 $0x1BF5;
	[smem:$0x3FB5] =	sst s0  }
0x18: {  	s0 =	sld [smem:$0x3F98];
	_ =	swait.ge [sflag:s4], $0x0  }
0x19: {  	s7 =	sld [smem:$0x3F99]  }
0x1a: {  	s8 =	sadd.s32 $0xFFFFE003, lr  }
0x1b: {  	s9 =	sadd.s32 $0xFFFFFEF7, lr;
	s5 =	simm.s32 $0xFFFFFFFF;
	p2 =	slt.u32 s8, $0xFFFFF086  }
0x1c: {  	p1 =	slt.u32 s9, $0xF7A;
	s5 =	simm.s32 @!p2 $0x0  }
0x1d: {  	s5 =	simm.s32 @p1 $0x1;
	p0 =	seq.s32 s7, s2  }
0x1e: {  	s7 =	smul.u32 @!p0 $0xF7A, s2;
	p2 =	seq.s32 @!p0 s5, $0x0  }
0x1f: {  	s9 =	smul.u32 $0xF7A, s1;
	s8 =	simm.s32 @!p0 $0x1BF5;
	p2 =	por !p2, p0  }
0x20: {  	[sflag:s8] =	ssyncset.s32 @!p0 $0xFFFFF086;
	s6 =	sadd.s32 @!p0 s3, s7;
	s7 =	simm.s32 @!p0 $0x108  }
0x21: {  	s3 =	sadd.s32 s3, s9;
	s6 =	sadd.s32 @!p0 $0x88, s6;
	s7 =	simm.s32 @p2 $0x1082  }
0x22: {  	[simem:s7], [sflag:s8] =	dma.local @!p0 [hbm:s6], $0xF7A  }
0x23: {  	s9 =	sor.u32 $0xD0000000, s2;
	s6 =	simm.s32 $0x108;
	_ =	swait.ge @!p0 [sflag:s8], $0x0  }
0x24: {  	s3 =	sadd.s32 $0x88, s3;
	s6 =	simm.s32 @!p1 $0x1082;
	[sflag:s4] =	ssyncset.s32 $0xFFFFF086  }
0x25: {  	[simem:s6], [sflag:s4] =	dma.local [hbm:s3], $0xF7A  }
0x26: {  	[smem:$0x3F99] =	sst s1;
	(tag) =	ssettag s2;
	_ =	strace s9  }
0x27: {  	s1 =	sld [smem:$0x3FA9]  }
0x28: {  	s2 =	sld [smem:$0x3FAA]  }
0x29: {  	s4 =	sld [smem:$0x3FAC]  }
0x2a: {  	p0 =	seq.s32 s5, $0x0;
	s5 =	sld [smem:$0x3FAD]  }
0x2b: {  	s6 =	sld [smem:$0x3FAE]  }
0x2c: {  	s7 =	sld [smem:$0x3FAF]  }
0x2d: {  	s3 =	simm.s32 $0x108;
	s8 =	sld [smem:$0x3FB0]  }
0x2e: {  	s3 =	simm.s32 @!p0 $0x1082;
	s9 =	sld [smem:$0x3FB1]  }
0x2f: {  	lr =	sadd.s32 s0, s3;
	s0 =	sld [smem:$0x3FA8]  }
0x30: {  	s3 =	sld [smem:$0x3FAB]  }
0x31: {  	[smem:$0x3FB4] =	sst s10  }
0x32: {  	s10 =	sld [smem:$0x3FB2];
	_ =	sdelay $0x3  }
0x33: {  	p0 =	seq.s32 s10, $0x1;
	s10 =	sld [smem:$0x3FB4];
	_ =	sdelay $0x3  }
0x34: {  	[smem:$0x3FB4] =	sst s10  }
0x35: {  	s10 =	sld [smem:$0x3FB3];
	_ =	sdelay $0x3  }
0x36: {  	p1 =	seq.s32 s10, $0x1;
	s10 =	sld [smem:$0x3FB4];
	_ =	sdelay $0x3  }
0x37: {  	[smem:$0x3FB4] =	sst s10  }
0x38: {  	s10 =	sld [smem:$0x3FB5]  }
0x39: {  	_ = 	snop;
	(pc) =	sbr.ind lr, $3  }
0x3a: {  	_ = 	snop  }
0x3b: {  	_ = 	snop  }
0x3c: {  	p2 =	seq.s32 s10, $0x1;
	s10 =	sld [smem:$0x3FB4]  }
0x3d: {  	_ =	shalt  }
0x3e: {  	_ =	shalt  }
0x3f: {  	_ =	shalt  }
0x40: {  	_ =	shalt  }
0x41: {  	_ =	shalt  }
0x42: {  	_ =	shalt  }
0x43: {  	_ =	shalt  }
0x44: {  	_ =	shalt  }
0x45: {  	_ =	shalt  }
0x46: {  	_ =	shalt  }
0x47: {  	_ =	shalt  }
0x48: {  	_ =	shalt  }
0x49: {  	_ =	shalt  }
0x4a: {  	_ =	shalt  }
0x4b: {  	_ =	shalt  }
0x4c: {  	_ =	shalt  }
0x4d: {  	_ =	shalt  }
0x4e: {  	_ =	shalt  }
0x4f: {  	_ =	shalt  }
0x50: {  	_ =	shalt  }
0x51: {  	_ =	shalt  }
0x52: {  	_ =	shalt  }
0x53: {  	_ =	shalt  }
0x54: {  	_ =	shalt  }
0x55: {  	_ =	shalt  }
0x56: {  	_ =	shalt  }
0x57: {  	_ =	shalt  }
0x58: {  	_ =	shalt  }
0x59: {  	_ =	shalt  }
0x5a: {  	_ =	shalt  }
0x5b: {  	_ =	shalt  }
0x5c: {  	_ =	shalt  }
0x5d: {  	_ =	shalt  }
0x5e: {  	_ =	shalt  }
0x5f: {  	_ =	shalt  }
0x60: {  	_ =	shalt  }
0x61: {  	_ =	shalt  }
0x62: {  	_ =	shalt  }
0x63: {  	_ =	shalt  }
0x64: {  	_ =	shalt  }
0x65: {  	_ =	shalt  }
0x66: {  	_ =	shalt  }
0x67: {  	_ =	shalt  }
0x68: {  	_ =	shalt  }
0x69: {  	_ =	shalt  }
0x6a: {  	_ =	shalt  }
0x6b: {  	_ =	shalt  }
0x6c: {  	_ =	shalt  }
0x6d: {  	_ =	shalt  }
0x6e: {  	_ =	shalt  }
0x6f: {  	_ =	shalt  }
0x70: {  	_ =	shalt  }
0x71: {  	_ =	shalt  }
0x72: {  	_ =	shalt  }
0x73: {  	_ =	shalt  }
0x74: {  	_ =	shalt  }
0x75: {  	_ =	shalt  }
0x76: {  	_ =	shalt  }
0x77: {  	_ =	shalt  }
0x78: {  	_ =	shalt  }
0x79: {  	_ =	shalt  }
0x7a: {  	_ =	shalt  }
0x7b: {  	_ =	shalt  }
0x7c: {  	_ =	shalt  }
0x7d: {  	_ =	shalt  }
0x7e: {  	_ =	shalt  }
0x7f: {  	_ =	shalt  }
0x80: {  	_ =	shalt  }
0x81: {  	_ =	shalt  }
0x82: {  	_ =	shalt  }
0x83: {  	_ =	shalt  }
0x84: {  	_ =	shalt  }
0x85: {  	_ =	shalt  }
0x86: {  	_ =	shalt  }
0x87: {  	_ =	shalt  }
.Lfunc_end0:
.L_simem_size_0:
called_computation.1_lowered:
.L_overlay_start_0:
0x88: {  	s2 =	sld [smem:$0x3FD9]  }
0x89: {  	s3 =	sld [smem:$0x3FFE];
	_ =	sdelay $0x1  }
0x8a: {  	s1 =	srdreg.scid  }
0x8b: {  	s0 =	sand.u32 $0x1, s1  }
0x8c: {  	s16 =	sshll.u32 s0, $0xA;
	s2 =	sadd.s32 s3, s2  }
0x8d: {  	s2 =	sadd.s32 s2, s16  }
0x8e: {  	[smem:$0x3FC0] =	sst s2  }
0x8f: {  	_ = 	snop  }
0x90: {  	(tm) =	ssettm $0x1  }
0x91: {  	s17 =	sld [smem:$0x3FFB];
	_ =	sdelay $0x3  }
0x92: {  	_ =	strace s17  }
0x93: {  	s2 =	sld [smem:$0x3FFC];
	_ =	sdelay $0x3  }
0x94: {  	_ =	strace s2  }
0x95: {  	s2 =	sld [smem:$0x3FFD];
	_ =	sdelay $0x3  }
0x96: {  	_ =	strace s2  }
0x97: {  	_ =	strace $0x8FFFFFFF  }
0x98: {  	s18 =	sld [smem:$0x3FDB];
	_ =	sdelay $0x1  }
0x99: {  	s19 =	simm.s32 $_scs_section_size  }
0x9a: {  	s4 =	simm.s32 $_size__tile_overlayer_lowered;
	s5 =	simm.s32 $_tile_overlayer_lowered  }
0x9b: {  	s22 =	simm.s32 $0x1BFF;
	s21 =	sshll.u32 s5, $0x1;
	s2 =	sadd.s32 s19, s18  }
0x9c: {  	s6 =	simm.s32 $0x0;
	s20 =	sshll.u32 s4, $0x1;
	s4 =	sadd.s32 s21, s2  }
0x9d: {  	[timem:s6], [sflag:s22] =	dma.local [hbm:s4], s20  }
0x9e: {  	_ =	swait.ge [sflag:s22], s20  }
0x9f: {  	s3 =	ssub.s32 $0x0, s20;
	[sflag:s22] =	ssyncset.done $0x0  }
0xa0: {  	[sflag:s22] =	ssyncadd.s32 s3;
	_ =	sdelay $0x1  }
0xa1: {  	s23 =	simm.s32 $0x1B8B  }
0xa2: {  	_ =	swait.ge [sflag:s23], $0x1  }
0xa3: {  	[sflag:s23] =	ssyncset.done $0x0  }
0xa4: {  	s25 =	simm.s32 $0x1B8E;
	s24 =	sld [smem:$0x3FFE];
	[sflag:s23] =	ssyncadd.s32 $0xFFFFFFFF  }
0xa5: {  	s26 =	simm.s32 $execute0_lowered;
	[smem:$0x3FD2] =	sst s25  }
0xa6: {  	s4 =	sshll.u32 s26, $0x1;
	_ =	strace $0x80000049;
	[dreg:$0x1] =	wrdreg $0xFFFFFFFF  }
0xa7: {  	s28 =	simm.s32 $_size_execute0_lowered;
	s2 =	sadd.s32 s2, s4;
	[dreg:$0x0] =	wrdreg $0x0  }
0xa8: {  	s4 =	sshll.u32 s28, $0x1;
	[dreg:$0x2] =	wrdreg s2  }
0xa9: {  	[dreg:$0x3] =	wrdreg s4  }
0xaa: {  	[dreg:$0x4] =	wrdreg $0xC0  }
0xab: {  	_ =	task [dreg:s6], $0x5FFFF  }
0xac: {  	[dreg:$0x1] =	wrdreg $0xFFFFFFFF  }
0xad: {  	[dreg:$0x0] =	wrdreg $0x60  }
0xae: {  	[dreg:$0x2] =	wrdreg s24  }
0xaf: {  	[dreg:$0x3] =	wrdreg $0x68A00  }
0xb0: {  	[dreg:$0x4] =	wrdreg $0x9  }
0xb1: {  	_ =	task.clear_ibuf [dreg:s6], $0x5FFFF;
	_ =	strace $0x90000049  }
0xb2: {  	s29 =	simm.s32 $0x9;
	_ =	strace $0x8000004B  }
0xb3: {  	_ =	swait.ge [sflag:s29], $0x1  }
0xb4: {  	[sflag:s29] =	ssyncadd.s32 $0xFFFFFFFF  }
0xb5: {  	_ =	strace $0x9000004B  }
0xb6: {  	_ =	sfence  }
0xb7: {  	s30 =	sld [smem:$0x0];
	_ =	sdelay $0x2  }
0xb8: {  	s31 =	sshll.u32 s1, $0xD;
	s1 =	sshrl.u32 s1, $0x2  }
0xb9: {  	s3 =	sand.u32 $0x4000, s31;
	s1 =	sadd.s32 s1, s30  }
0xba: {  	s0 =	sor.u32 s3, s0;
	s1 =	sshll.u32 s1, $0x11  }
0xbb: {  	s0 =	sor.u32 s1, s0  }
0xbc: {  	s0 =	sadd.s32 $0x8F2B, s0  }
0xbd: {  	[sflag:s0] =	ssyncadd.remote.s32 $0x1  }
0xbe: {  	_ =	sfence.sel $0xFFFF  }
0xbf: {  	[dreg:$0x0] =	wrdreg $0xFFFFFFFF;
	(pc) =	sbr.abs _section_cstart, $3  }
0xc0: {  	[dreg:$0x1] =	wrdreg $0xFFFFFFFF  }
0xc1: {  	_ =	task.clear_ibuf [dreg:s6], $0x2FFFF;
	_ =	strace $0x9FFFFFFF  }
0xc2: {  	(tm) =	ssettm $0x7FFFFFFF  }
0xc3: {  	_ =	shalt  }
tec
execute0_lowered:
.L_overlay_start_1:
0x0: {  	(tag) =	ssettag $0x1  }
0x1: {  	s5 =	rddreg [dreg:$0x0]  }
0x2: {  	s0 =	srdreg.scid;
	s2 =	rddreg [dreg:$0x1]  }
0x3: {  	s1 =	rddreg [dreg:$0x2];
	s6 =	sand.u32 $0x1, s0  }
0x4: {  	s3 =	simm.s32 $0x0;
	s0 =	stileid.u32;
	s4 =	smul.u32 $0x27100, s6  }
0x5: {  	s14 =	simm.s32 $0x28A0;
	s15 =	simm.s32 $0x2;
	s7 =	smul.u32 $0x2710, s0  }
0x6: {  	s16 =	simm.s32 $0x50;
	s17 =	simm.s32 $0xA0;
	s31 =	smul.u32 $0x14000, s0  }
0x7: {  	s18 =	simm.s32 $0x1;
	s19 =	simm.s32 $0x0;
	s8 =	smul.u32 $0x140000, s6  }
0x8: {  	[smem:$0x7FF] =	sst s3;
	s9 =	smul.u32 $0x50000, s0;
	s6 =	ssub.s32 $0x2, s6  }
0x9: {  	_ =	strace $0x8000004A;
	s10 =	sshrl.u32 s6, $0x1;
	s4 =	sadd.s32 s7, s4  }
0xa: {  	s8 =	sadd.s32 s31, s8;
	s9 =	sshrl.u32 s9, $0x2;
	s12 =	ssub.s32 s6, s10  }
0xb: {  	s4 =	sshrl.u32 s4, $0x3;
	s8 =	sshrl.u32 s8, $0x3;
	s9 =	sadd.s32 s9, s2  }
0xc: {  	s13 =	sadd.s32 s4, s5;
	s4 =	sadd.s32 $0x66200, s5;
	s11 =	sadd.s32 s8, s5  }
0xd: {  	s5 =	sadd.s32 s31, s2;
	s6 =	sadd.s32 $0x4000, s9;
	s7 =	sadd.s32 $0x8000, s9  }
0xe: {  	s8 =	sadd.s32 $0xC000, s9;
	s9 =	sadd.s32 $0x10000, s9;
	s10 =	sadd.s32 $0x8D400, s11  }
0xf: {  	v0 =	vimm.f32 $0.0e+00;
	s11 =	smax.u32 s12, $0x1;
	s12 =	sadd.s32 $0x2600, s13;
	s13 =	sadd.s32 $0xC400, s13  }
.LBB2_1:
0x10: {  	s20 =	sand.u32 $0xFE00, s3  }
0x11: {  	s21 =	sand.u32 $0x70, s3;
	s22 =	sshrl.u32 s20, $0x2  }
0x12: {  	s20 =	simm.s32 $0x40;
	s22 =	sor.u32 s21, s22;
	s21 =	simm.s32 $0x0  }
.LBB2_2:
0x13: {  	p0 =	sne.s32 s20, $0xFFC0  }
0x14: {  	[tilespmem:s22+$0x28A0] =	vst v0;
	s21 =	sadd.s32 $0x10, s21;
	s22 =	smov.u32 s20;
	s20 =	sadd.s32 $0x40, s20  }
.Ltmp0:
0x15: {  	(pc) =	sbr.rel @p0 .LBB2_2-.Ltmp0, $4  }
0x16: {  	_ = 	snop  }
0x17: {  	s22 =	sand.u32 $0xFE00, s22  }
0x18: {  	s23 =	sand.u32 $0x70, s21;
	s22 =	sshrl.u32 s22, $0x2  }
0x19: {  	s22 =	sor.u32 s23, s22  }
0x1a: {  	[tilespmem:s22+$0x28A0] =	vst v0  }
0x1b: {  	[spmem:s5] =	stream.linear.scatter [tilespmem:s14], [sflag:$0x2], $0x4000, $0x38;
	[tilespmem:$0x1A8A0] =	vst v63  }
0x1c: {  	_ =	swait.ge [sflag:s15], $0x4000  }
0x1d: {  	[sflag:s15] =	ssyncset.done $0x0  }
0x1e: {  	[sflag:s15] =	ssyncadd.s32 $0xFFFFC000  }
0x1f: {  	[spmem:s6] =	stream.linear.scatter [tilespmem:s14], [sflag:$0x2], $0x4000, $0x38;
	[tilespmem:$0x1A8A0] =	vst v63  }
0x20: {  	_ =	swait.ge [sflag:s15], $0x4000  }
0x21: {  	[sflag:s15] =	ssyncset.done $0x0  }
0x22: {  	[sflag:s15] =	ssyncadd.s32 $0xFFFFC000  }
0x23: {  	[spmem:s7] =	stream.linear.scatter [tilespmem:s14], [sflag:$0x2], $0x4000, $0x38;
	[tilespmem:$0x1A8A0] =	vst v63  }
0x24: {  	_ =	swait.ge [sflag:s15], $0x4000  }
0x25: {  	[sflag:s15] =	ssyncset.done $0x0  }
0x26: {  	[sflag:s15] =	ssyncadd.s32 $0xFFFFC000  }
0x27: {  	[spmem:s8] =	stream.linear.scatter [tilespmem:s14], [sflag:$0x2], $0x4000, $0x38;
	[tilespmem:$0x1A8A0] =	vst v63  }
0x28: {  	_ =	swait.ge [sflag:s15], $0x4000  }
0x29: {  	[sflag:s15] =	ssyncset.done $0x0  }
0x2a: {  	[sflag:s15] =	ssyncadd.s32 $0xFFFFC000  }
0x2b: {  	[spmem:s9] =	stream.linear.scatter [tilespmem:s14], [sflag:$0x2], $0x4000, $0x38;
	[tilespmem:$0x1A8A0] =	vst v63  }
0x2c: {  	_ =	swait.ge [sflag:s15], $0x4000  }
0x2d: {  	[sflag:s15] =	ssyncset.done $0x0  }
0x2e: {  	[sflag:s15] =	ssyncadd.s32 $0xFFFFC000  }
0x2f: {  	s20 =	sadd.s32 $0x0, s13;
	[bflag:$0x0] =	sbarrier.arrive $0xFFFF  }
0x30: {  	[tilespmem:s3], [sflag:$0x2] =	stream.linear.gather [hbm4b:s20+s3], $0x50, $0x38;
	[tilespmem:$0x1A8A0] =	vst v63  }
0x31: {  	_ =	swait.ge [sflag:s15], $0x50  }
0x32: {  	[sflag:s15] =	ssyncset.done $0x0  }
0x33: {  	s31 =	sadd.s32 $0x0, s12;
	[sflag:s15] =	ssyncadd.s32 $0xFFFFFFB0  }
0x34: {  	[tilespmem:s16], [sflag:$0x2] =	stream.linear.gather [hbm4b:s31+s3], $0x50, $0x38;
	[tilespmem:$0x1A8A0] =	vst v63  }
0x35: {  	_ =	swait.ge [sflag:s15], $0x50  }
0x36: {  	[sflag:s15] =	ssyncset.done $0x0  }
0x37: {  	[sflag:s15] =	ssyncadd.s32 $0xFFFFFFB0  }
0x38: {  	[tilespmem:s17], [sflag:$0x1] =	stream.indirect.gather [hbm4b:s4+s16], $0x80, s3, s16, $0xb8;
	[tilespmem:$0x1A8A0] =	vst v63  }
0x39: {  	_ =	swait.ge [sflag:s18], $0x2800  }
0x3a: {  	[sflag:s18] =	ssyncset.done $0x0  }
0x3b: {  	[sflag:s18] =	ssyncadd.s32 $0xFFFFD800  }
0x3c: {  	[spmem:s2] =	stream.indirect.scatter.add.f32 [tilespmem:s17], [sflag:$0x2], $0x80, s16, s16, $0xb8;
	[tilespmem:$0x1A8A0] =	vst v63  }
0x3d: {  	_ =	swait.ge [sflag:s15], $0x2800  }
0x3e: {  	s21 =	simm.s32 $0x14;
	s20 =	simm.s32 $0xA;
	[sflag:s15] =	ssyncset.done $0x0  }
.LBB2_4:
0x3f: {  	s22 =	sadd.s32 s20, s13  }
0x40: {  	[sflag:s15] =	ssyncadd.s32 $0xFFFFD800;
	s23 =	smov.u32 s21;
	s24 =	sadd.s32 $0xA, s21  }
0x41: {  	[tilespmem:s3], [sflag:$0x2] =	stream.linear.gather [hbm4b:s22+s3], $0x50, $0x38;
	[tilespmem:$0x1A8A0] =	vst v63  }
0x42: {  	p0 =	sne.s32 s21, $0x4D8;
	_ =	swait.ge [sflag:s15], $0x50  }
0x43: {  	[sflag:s15] =	ssyncset.done $0x0  }
0x44: {  	s21 =	sadd.s32 s20, s12;
	s20 =	smov.u32 s23;
	[sflag:s15] =	ssyncadd.s32 $0xFFFFFFB0  }
0x45: {  	[tilespmem:s16], [sflag:$0x2] =	stream.linear.gather [hbm4b:s21+s3], $0x50, $0x38;
	[tilespmem:$0x1A8A0] =	vst v63  }
0x46: {  	_ =	swait.ge [sflag:s15], $0x50  }
0x47: {  	[sflag:s15] =	ssyncset.done $0x0  }
0x48: {  	[sflag:s15] =	ssyncadd.s32 $0xFFFFFFB0  }
0x49: {  	[tilespmem:s17], [sflag:$0x1] =	stream.indirect.gather [hbm4b:s4+s16], $0x80, s3, s16, $0xb8;
	[tilespmem:$0x1A8A0] =	vst v63  }
0x4a: {  	_ =	swait.ge [sflag:s18], $0x2800  }
.Ltmp1:
0x4b: {  	[sflag:s18] =	ssyncset.done $0x0;
	(pc) =	sbr.rel @p0 .LBB2_4-.Ltmp1, $4  }
0x4c: {  	[sflag:s18] =	ssyncadd.s32 $0xFFFFD800  }
0x4d: {  	[spmem:s2] =	stream.indirect.scatter.add.f32 [tilespmem:s17], [sflag:$0x2], $0x80, s16, s16, $0xb8;
	[tilespmem:$0x1A8A0] =	vst v63  }
0x4e: {  	_ =	swait.ge [sflag:s15], $0x2800  }
0x4f: {  	s21 =	smov.u32 s24;
	[sflag:s15] =	ssyncset.done $0x0  }
0x50: {  	s21 =	sadd.s32 s20, s13;
	[sflag:s15] =	ssyncadd.s32 $0xFFFFD800  }
0x51: {  	[tilespmem:s3], [sflag:$0x2] =	stream.linear.gather [hbm4b:s21+s3], $0x50, $0x38;
	[tilespmem:$0x1A8A0] =	vst v63  }
0x52: {  	_ =	swait.ge [sflag:s15], $0x50  }
0x53: {  	[sflag:s15] =	ssyncset.done $0x0  }
0x54: {  	s29 =	sadd.s32 s20, s12;
	[sflag:s15] =	ssyncadd.s32 $0xFFFFFFB0  }
0x55: {  	[tilespmem:s16], [sflag:$0x2] =	stream.linear.gather [hbm4b:s29+s3], $0x50, $0x38;
	[tilespmem:$0x1A8A0] =	vst v63  }
0x56: {  	_ =	swait.ge [sflag:s15], $0x50  }
0x57: {  	[sflag:s15] =	ssyncset.done $0x0  }
0x58: {  	[sflag:s15] =	ssyncadd.s32 $0xFFFFFFB0  }
0x59: {  	[tilespmem:s17], [sflag:$0x1] =	stream.indirect.gather [hbm4b:s4+s16], $0x80, s3, s16, $0xb8;
	[tilespmem:$0x1A8A0] =	vst v63  }
0x5a: {  	_ =	swait.ge [sflag:s18], $0x2800  }
0x5b: {  	[sflag:s18] =	ssyncset.done $0x0  }
0x5c: {  	[sflag:s18] =	ssyncadd.s32 $0xFFFFD800  }
0x5d: {  	[spmem:s2] =	stream.indirect.scatter.add.f32 [tilespmem:s17], [sflag:$0x2], $0x80, s16, s16, $0xb8;
	[tilespmem:$0x1A8A0] =	vst v63  }
0x5e: {  	_ =	swait.ge [sflag:s15], $0x2800  }
0x5f: {  	s30 =	sshll.u32 s0, $0x6;
	s19 =	sadd.s32 $0x1, s19;
	[sflag:s15] =	ssyncset.done $0x0  }
0x60: {  	s31 =	sshrl.u32 s5, $0x3;
	p0 =	sne.s32 s19, s11;
	[sflag:s15] =	ssyncadd.s32 $0xFFFFD800  }
.Ltmp2:
0x61: {  	s20 =	sor.u32 $0x1C02, s30;
	[bflag:$0x0] =	sbarrier.arrive $0xFFFF;
	(pc) =	sbr.rel @p0 .LBB2_1-.Ltmp2, $4  }
0x62: {  	[hbm:s10], [sflag:s20] =	dma.local [spmem:s31], $0x2800  }
0x63: {  	_ =	swait.ge [sflag:s15], $0x2800  }
0x64: {  	[sflag:s15] =	ssyncset.done $0x0  }
0x65: {  	[sflag:s15] =	ssyncadd.s32 $0xFFFFD800  }
0x66: {  	_ =	sfence.sel $0x180000  }
0x67: {  	[bflag:$0x0] =	sbarrier.arrive $0xFFFF  }
0x68: {  	p0 =	sne.s32 s0, $0x0;
	_ =	strace $0x9000004A  }
0x69: {  	s0 =	sadd.s32 @!p0 $0x100000, s1;
	[bflag:$0x2] =	sbarrier.arrive $0xFFFF  }
0x6a: {  	[sflag:s0] =	ssyncadd.tile.s32 @!p0 $0x1;
	_ =	shalt  }
.Lfunc_end2:
_tile_overlayer_lowered:
.L_overlay_start_2:
0x6b: {  	(tag) =	ssettag $0x2  }
0x6c: {  	s0 =	rddreg [dreg:$0x0];
	s2 =	stileid.u32  }
0x6d: {  	s1 =	rddreg [dreg:$0x1];
	p0 =	sne.s32 s2, $0x0  }
0x6e: {  	s3 =	rddreg [dreg:$0x2];
	[bflag:$0x3] =	sbarrier.arrive $0xFFFF;
	s2 =	simm.s32 @!p0 $0x1C02  }
0x6f: {  	[timem:s3], [sflag:s2] =	dma.local @!p0 [hbm:s0], s1  }
0x70: {  	s0 =	simm.s32 @!p0 $0x2  }
0x71: {  	_ =	swait.ge @!p0 [sflag:s0], s1  }
0x72: {  	s1 =	ssub.s32 @!p0 $0x0, s1;
	[sflag:s0] =	ssyncset.done @!p0 $0x0  }
0x73: {  	[sflag:s0] =	ssyncadd.s32 @!p0 s1  }
0x74: {  	[bflag:$0x3] =	sbarrier.arrive $0xFFFF  }
0x75: {  	_ =	shalt  }

// kernel: kernel.14.cloned.1.call-start
scs
__scs_entry_jumppad:
0x0: {  	(pc) =	sbr.rel $0x88, $3  }
0x1: {  	(tag) =	ssettag $0x0;
	lr =	simm.s32 $0x1  }
0x2: {  	[smem:$0x3F99] =	sst lr;
	_ =	strace $0xD0000000  }
0x3: {  	_ = 	snop  }
0x4: {  	_ = 	snop  }
0x5: {  	_ = 	snop  }
0x6: {  	_ = 	snop  }
0x7: {  	_ = 	snop  }
__scs_overlays_trampoline_lowered:
0x8: {  	[smem:$0x3FA8] =	sst s0  }
0x9: {  	[smem:$0x3FA9] =	sst s1  }
0xa: {  	[smem:$0x3FAA] =	sst s2  }
0xb: {  	[smem:$0x3FAB] =	sst s3  }
0xc: {  	[smem:$0x3FAC] =	sst s4  }
0xd: {  	[smem:$0x3FAD] =	sst s5  }
0xe: {  	[smem:$0x3FAE] =	sst s6  }
0xf: {  	[smem:$0x3FAF] =	sst s7  }
0x10: {  	[smem:$0x3FB0] =	sst s8  }
0x11: {  	[smem:$0x3FB1] =	sst s9;
	s0 =	simm.s32 @!p0 $0x0  }
0x12: {  	s1 =	sld [smem:$0x3F97];
	s0 =	simm.s32 @p0 $0x1  }
0x13: {  	[smem:$0x3FB2] =	sst s0;
	s0 =	simm.s32 @!p1 $0x0  }
0x14: {  	s2 =	sld [smem:$0x3F96];
	s0 =	simm.s32 @p1 $0x1  }
0x15: {  	[smem:$0x3FB3] =	sst s0;
	s0 =	simm.s32 @!p2 $0x0  }
0x16: {  	s3 =	sld [smem:$0x3FDB];
	s0 =	simm.s32 @p2 $0x1  }
0x17: {  	s4 =	simm.s32 $0x1BF5;
	[smem:$0x3FB5] =	sst s0  }
0x18: {  	s0 =	sld [smem:$0x3F98];
	_ =	swait.ge [sflag:s4], $0x0  }
0x19: {  	s7 =	sld [smem:$0x3F99]  }
0x1a: {  	s8 =	sadd.s32 $0xFFFFE003, lr  }
0x1b: {  	s9 =	sadd.s32 $0xFFFFFEF7, lr;
	s5 =	simm.s32 $0xFFFFFFFF;
	p2 =	slt.u32 s8, $0xFFFFF086  }
0x1c: {  	p1 =	slt.u32 s9, $0xF7A;
	s5 =	simm.s32 @!p2 $0x0  }
0x1d: {  	s5 =	simm.s32 @p1 $0x1;
	p0 =	seq.s32 s7, s2  }
0x1e: {  	s7 =	smul.u32 @!p0 $0xF7A, s2;
	p2 =	seq.s32 @!p0 s5, $0x0  }
0x1f: {  	s9 =	smul.u32 $0xF7A, s1;
	s8 =	simm.s32 @!p0 $0x1BF5;
	p2 =	por !p2, p0  }
0x20: {  	[sflag:s8] =	ssyncset.s32 @!p0 $0xFFFFF086;
	s6 =	sadd.s32 @!p0 s3, s7;
	s7 =	simm.s32 @!p0 $0x108  }
0x21: {  	s3 =	sadd.s32 s3, s9;
	s6 =	sadd.s32 @!p0 $0x88, s6;
	s7 =	simm.s32 @p2 $0x1082  }
0x22: {  	[simem:s7], [sflag:s8] =	dma.local @!p0 [hbm:s6], $0xF7A  }
0x23: {  	s9 =	sor.u32 $0xD0000000, s2;
	s6 =	simm.s32 $0x108;
	_ =	swait.ge @!p0 [sflag:s8], $0x0  }
0x24: {  	s3 =	sadd.s32 $0x88, s3;
	s6 =	simm.s32 @!p1 $0x1082;
	[sflag:s4] =	ssyncset.s32 $0xFFFFF086  }
0x25: {  	[simem:s6], [sflag:s4] =	dma.local [hbm:s3], $0xF7A  }
0x26: {  	[smem:$0x3F99] =	sst s1;
	(tag) =	ssettag s2;
	_ =	strace s9  }
0x27: {  	s1 =	sld [smem:$0x3FA9]  }
0x28: {  	s2 =	sld [smem:$0x3FAA]  }
0x29: {  	s4 =	sld [smem:$0x3FAC]  }
0x2a: {  	p0 =	seq.s32 s5, $0x0;
	s5 =	sld [smem:$0x3FAD]  }
0x2b: {  	s6 =	sld [smem:$0x3FAE]  }
0x2c: {  	s7 =	sld [smem:$0x3FAF]  }
0x2d: {  	s3 =	simm.s32 $0x108;
	s8 =	sld [smem:$0x3FB0]  }
0x2e: {  	s3 =	simm.s32 @!p0 $0x1082;
	s9 =	sld [smem:$0x3FB1]  }
0x2f: {  	lr =	sadd.s32 s0, s3;
	s0 =	sld [smem:$0x3FA8]  }
0x30: {  	s3 =	sld [smem:$0x3FAB]  }
0x31: {  	[smem:$0x3FB4] =	sst s10  }
0x32: {  	s10 =	sld [smem:$0x3FB2];
	_ =	sdelay $0x3  }
0x33: {  	p0 =	seq.s32 s10, $0x1;
	s10 =	sld [smem:$0x3FB4];
	_ =	sdelay $0x3  }
0x34: {  	[smem:$0x3FB4] =	sst s10  }
0x35: {  	s10 =	sld [smem:$0x3FB3];
	_ =	sdelay $0x3  }
0x36: {  	p1 =	seq.s32 s10, $0x1;
	s10 =	sld [smem:$0x3FB4];
	_ =	sdelay $0x3  }
0x37: {  	[smem:$0x3FB4] =	sst s10  }
0x38: {  	s10 =	sld [smem:$0x3FB5]  }
0x39: {  	_ = 	snop;
	(pc) =	sbr.ind lr, $3  }
0x3a: {  	_ = 	snop  }
0x3b: {  	_ = 	snop  }
0x3c: {  	p2 =	seq.s32 s10, $0x1;
	s10 =	sld [smem:$0x3FB4]  }
0x3d: {  	_ =	shalt  }
0x3e: {  	_ =	shalt  }
0x3f: {  	_ =	shalt  }
0x40: {  	_ =	shalt  }
0x41: {  	_ =	shalt  }
0x42: {  	_ =	shalt  }
0x43: {  	_ =	shalt  }
0x44: {  	_ =	shalt  }
0x45: {  	_ =	shalt  }
0x46: {  	_ =	shalt  }
0x47: {  	_ =	shalt  }
0x48: {  	_ =	shalt  }
0x49: {  	_ =	shalt  }
0x4a: {  	_ =	shalt  }
0x4b: {  	_ =	shalt  }
0x4c: {  	_ =	shalt  }
0x4d: {  	_ =	shalt  }
0x4e: {  	_ =	shalt  }
0x4f: {  	_ =	shalt  }
0x50: {  	_ =	shalt  }
0x51: {  	_ =	shalt  }
0x52: {  	_ =	shalt  }
0x53: {  	_ =	shalt  }
0x54: {  	_ =	shalt  }
0x55: {  	_ =	shalt  }
0x56: {  	_ =	shalt  }
0x57: {  	_ =	shalt  }
0x58: {  	_ =	shalt  }
0x59: {  	_ =	shalt  }
0x5a: {  	_ =	shalt  }
0x5b: {  	_ =	shalt  }
0x5c: {  	_ =	shalt  }
0x5d: {  	_ =	shalt  }
0x5e: {  	_ =	shalt  }
0x5f: {  	_ =	shalt  }
0x60: {  	_ =	shalt  }
0x61: {  	_ =	shalt  }
0x62: {  	_ =	shalt  }
0x63: {  	_ =	shalt  }
0x64: {  	_ =	shalt  }
0x65: {  	_ =	shalt  }
0x66: {  	_ =	shalt  }
0x67: {  	_ =	shalt  }
0x68: {  	_ =	shalt  }
0x69: {  	_ =	shalt  }
0x6a: {  	_ =	shalt  }
0x6b: {  	_ =	shalt  }
0x6c: {  	_ =	shalt  }
0x6d: {  	_ =	shalt  }
0x6e: {  	_ =	shalt  }
0x6f: {  	_ =	shalt  }
0x70: {  	_ =	shalt  }
0x71: {  	_ =	shalt  }
0x72: {  	_ =	shalt  }
0x73: {  	_ =	shalt  }
0x74: {  	_ =	shalt  }
0x75: {  	_ =	shalt  }
0x76: {  	_ =	shalt  }
0x77: {  	_ =	shalt  }
0x78: {  	_ =	shalt  }
0x79: {  	_ =	shalt  }
0x7a: {  	_ =	shalt  }
0x7b: {  	_ =	shalt  }
0x7c: {  	_ =	shalt  }
0x7d: {  	_ =	shalt  }
0x7e: {  	_ =	shalt  }
0x7f: {  	_ =	shalt  }
0x80: {  	_ =	shalt  }
0x81: {  	_ =	shalt  }
0x82: {  	_ =	shalt  }
0x83: {  	_ =	shalt  }
0x84: {  	_ =	shalt  }
0x85: {  	_ =	shalt  }
0x86: {  	_ =	shalt  }
0x87: {  	_ =	shalt  }
.Lfunc_end0:
.L_simem_size_0:
called_computation.2_lowered:
.L_overlay_start_0:
0x88: {  	s2 =	sld [smem:$0x3FD9]  }
0x89: {  	s3 =	sld [smem:$0x3FFE];
	_ =	sdelay $0x1  }
0x8a: {  	s1 =	srdreg.scid  }
0x8b: {  	s0 =	sand.u32 $0x1, s1  }
0x8c: {  	s17 =	sshll.u32 s0, $0xA;
	s2 =	sadd.s32 s3, s2  }
0x8d: {  	s2 =	sadd.s32 s2, s17  }
0x8e: {  	[smem:$0x3FC0] =	sst s2  }
0x8f: {  	_ = 	snop  }
0x90: {  	s2 =	sld [smem:$0x3FD0];
	(tm) =	ssettm $0x1  }
0x91: {  	s18 =	sld [smem:$0x3FFB];
	_ =	sdelay $0x3  }
0x92: {  	_ =	strace s18  }
0x93: {  	s3 =	sld [smem:$0x3FFC];
	_ =	sdelay $0x3  }
0x94: {  	_ =	strace s3  }
0x95: {  	s3 =	sld [smem:$0x3FFD];
	_ =	sdelay $0x3  }
0x96: {  	_ =	strace s3  }
0x97: {  	_ =	strace $0x8FFFFFFF  }
0x98: {  	s19 =	sld [smem:$0x3FDB];
	_ =	sdelay $0x1  }
0x99: {  	s4 =	simm.s32 $_scs_section_size  }
0x9a: {  	s5 =	simm.s32 $_size__tile_overlayer_lowered;
	s6 =	simm.s32 $_tile_overlayer_lowered  }
0x9b: {  	s22 =	simm.s32 $0x1BFF;
	s21 =	sshll.u32 s6, $0x1;
	s3 =	sadd.s32 s4, s19  }
0x9c: {  	s7 =	simm.s32 $0x0;
	s20 =	sshll.u32 s5, $0x1;
	s5 =	sadd.s32 s21, s3  }
0x9d: {  	[timem:s7], [sflag:s22] =	dma.local [hbm:s5], s20  }
0x9e: {  	_ =	swait.ge [sflag:s22], s20  }
0x9f: {  	s4 =	ssub.s32 $0x0, s20;
	[sflag:s22] =	ssyncset.done $0x0  }
0xa0: {  	[sflag:s22] =	ssyncadd.s32 s4;
	_ =	sdelay $0x1  }
0xa1: {  	s23 =	simm.s32 $0x1B8B  }
0xa2: {  	_ =	swait.ge [sflag:s23], $0x1  }
0xa3: {  	[sflag:s23] =	ssyncset.done $0x0  }
0xa4: {  	s25 =	simm.s32 $0x1B8E;
	s24 =	sld [smem:$0x3FFE];
	[sflag:s23] =	ssyncadd.s32 $0xFFFFFFFF  }
0xa5: {  	s26 =	simm.s32 $execute0_lowered;
	[smem:$0x3FD2] =	sst s25  }
0xa6: {  	s5 =	sshll.u32 s26, $0x1;
	_ =	strace $0x8000004C;
	[dreg:$0x1] =	wrdreg $0xFFFFFFFF  }
0xa7: {  	s28 =	simm.s32 $_size_execute0_lowered;
	s3 =	sadd.s32 s3, s5;
	[dreg:$0x0] =	wrdreg $0x0  }
0xa8: {  	s5 =	sshll.u32 s28, $0x1;
	[dreg:$0x2] =	wrdreg s3  }
0xa9: {  	[dreg:$0x3] =	wrdreg s5  }
0xaa: {  	[dreg:$0x4] =	wrdreg $0xC0  }
0xab: {  	_ =	task [dreg:s7], $0x5FFFF  }
0xac: {  	[dreg:$0x1] =	wrdreg $0xFFFFFFFF  }
0xad: {  	[dreg:$0x0] =	wrdreg $0x60  }
0xae: {  	[dreg:$0x2] =	wrdreg s24  }
0xaf: {  	[dreg:$0x3] =	wrdreg s2  }
0xb0: {  	[dreg:$0x4] =	wrdreg $0xDA00  }
0xb1: {  	[dreg:$0x5] =	wrdreg $0x9  }
0xb2: {  	_ =	task.clear_ibuf [dreg:s7], $0x6FFFF;
	_ =	strace $0x9000004C  }
0xb3: {  	s29 =	simm.s32 $0x9;
	_ =	strace $0x8000004E  }
0xb4: {  	_ =	swait.ge [sflag:s29], $0x1  }
0xb5: {  	[sflag:s29] =	ssyncadd.s32 $0xFFFFFFFF  }
0xb6: {  	_ =	strace $0x9000004E  }
0xb7: {  	_ =	sfence  }
0xb8: {  	s30 =	sld [smem:$0x0];
	_ =	sdelay $0x2  }
0xb9: {  	s31 =	sshll.u32 s1, $0xD;
	s1 =	sshrl.u32 s1, $0x2  }
0xba: {  	s3 =	sand.u32 $0x4000, s31;
	s1 =	sadd.s32 s1, s30  }
0xbb: {  	s0 =	sor.u32 s3, s0;
	s1 =	sshll.u32 s1, $0x11  }
0xbc: {  	s0 =	sor.u32 s1, s0  }
0xbd: {  	s0 =	sadd.s32 $0x8F2B, s0  }
0xbe: {  	[sflag:s0] =	ssyncadd.remote.s32 $0x1  }
0xbf: {  	_ =	sfence.sel $0xFFFF  }
0xc0: {  	[dreg:$0x0] =	wrdreg $0xFFFFFFFF;
	(pc) =	sbr.abs _section_cstart, $3  }
0xc1: {  	[dreg:$0x1] =	wrdreg $0xFFFFFFFF  }
0xc2: {  	_ =	task.clear_ibuf [dreg:s7], $0x2FFFF;
	_ =	strace $0x9FFFFFFF  }
0xc3: {  	(tm) =	ssettm $0x7FFFFFFF  }
tec
execute0_lowered:
.L_overlay_start_1:
0x0: {  	(tag) =	ssettag $0x1  }
0x1: {  	s5 =	rddreg [dreg:$0x0]  }
0x2: {  	s2 =	rddreg [dreg:$0x1]  }
0x3: {  	s3 =	rddreg [dreg:$0x2]  }
0x4: {  	s0 =	srdreg.scid;
	s1 =	rddreg [dreg:$0x3]  }
0x5: {  	s4 =	simm.s32 $0x0;
	s14 =	simm.s32 $0x5A0;
	s6 =	sand.u32 $0x1, s0  }
0x6: {  	s15 =	simm.s32 $0x2;
	s0 =	stileid.u32;
	s7 =	smul.u32 $0x27100, s6  }
0x7: {  	s16 =	simm.s32 $0x50;
	s17 =	simm.s32 $0xA0;
	s8 =	smul.u32 $0x2710, s0  }
0x8: {  	s18 =	simm.s32 $0x1;
	[smem:$0x7FF] =	sst s4;
	s9 =	smul.u32 $0x2800, s0  }
0x9: {  	s21 =	simm.s32 $0x0;
	s29 =	smul.u32 $0x28000, s6;
	_ =	strace $0x8000004D  }
0xa: {  	s10 =	smul.u32 $0xA000, s0;
	s6 =	ssub.s32 $0x2, s6;
	s19 =	sshll.u32 s0, $0x6  }
0xb: {  	s31 =	sshrl.u32 s6, $0x1;
	s19 =	sor.u32 $0x1C02, s19;
	s7 =	sadd.s32 s8, s7  }
0xc: {  	s30 =	sadd.s32 s9, s29;
	s10 =	sshrl.u32 s10, $0x2;
	s7 =	sshrl.u32 s7, $0x3  }
0xd: {  	s12 =	ssub.s32 s6, s31;
	s10 =	sadd.s32 s10, s3;
	s13 =	sadd.s32 s7, s5  }
0xe: {  	s7 =	sshrl.u32 s30, $0x3;
	s6 =	sadd.s32 $0x800, s10;
	s8 =	sadd.s32 $0x1800, s10  }
0xf: {  	s11 =	sadd.s32 s7, s5;
	s5 =	sadd.s32 s9, s3;
	s7 =	sadd.s32 $0x1000, s10  }
0x10: {  	s9 =	sadd.s32 $0x2000, s10;
	s10 =	sadd.s32 $0x66200, s11;
	s11 =	smax.u32 s12, $0x1  }
0x11: {  	v0 =	vimm.f32 $0.0e+00;
	s12 =	sadd.s32 $0x2600, s13;
	s13 =	sadd.s32 $0xC400, s13;
	s20 =	sshrl.u32 s5, $0x3  }
.LBB2_1:
0x12: {  	s22 =	simm.s32 $0x40;
	s23 =	simm.s32 $0x0  }
.LBB2_2:
0x13: {  	p0 =	sne.s32 s22, $0x1FC0;
	[tilespmem:s23+$0x5A0] =	vst v0;
	s23 =	smov.u32 s22;
	s22 =	sadd.s32 $0x40, s22  }
.Ltmp0:
0x14: {  	(pc) =	sbr.rel @p0 .LBB2_2-.Ltmp0, $2  }
0x15: {  	_ =	sdelay $0x2  }
0x16: {  	s23 =	sshra.s32 s23, $0x2  }
0x17: {  	[tilespmem:s23+$0x5A0] =	vst v0  }
0x18: {  	[spmem:s5] =	stream.linear.scatter [tilespmem:s14], [sflag:$0x2], $0x800, $0x38;
	[tilespmem:$0x35A0] =	vst v63  }
0x19: {  	_ =	swait.ge [sflag:s15], $0x800  }
0x1a: {  	[sflag:s15] =	ssyncset.done $0x0  }
0x1b: {  	[sflag:s15] =	ssyncadd.s32 $0xFFFFF800  }
0x1c: {  	[spmem:s6] =	stream.linear.scatter [tilespmem:s14], [sflag:$0x2], $0x800, $0x38;
	[tilespmem:$0x35A0] =	vst v63  }
0x1d: {  	_ =	swait.ge [sflag:s15], $0x800  }
0x1e: {  	[sflag:s15] =	ssyncset.done $0x0  }
0x1f: {  	[sflag:s15] =	ssyncadd.s32 $0xFFFFF800  }
0x20: {  	[spmem:s7] =	stream.linear.scatter [tilespmem:s14], [sflag:$0x2], $0x800, $0x38;
	[tilespmem:$0x35A0] =	vst v63  }
0x21: {  	_ =	swait.ge [sflag:s15], $0x800  }
0x22: {  	[sflag:s15] =	ssyncset.done $0x0  }
0x23: {  	[sflag:s15] =	ssyncadd.s32 $0xFFFFF800  }
0x24: {  	[spmem:s8] =	stream.linear.scatter [tilespmem:s14], [sflag:$0x2], $0x800, $0x38;
	[tilespmem:$0x35A0] =	vst v63  }
0x25: {  	_ =	swait.ge [sflag:s15], $0x800  }
0x26: {  	[sflag:s15] =	ssyncset.done $0x0  }
0x27: {  	[sflag:s15] =	ssyncadd.s32 $0xFFFFF800  }
0x28: {  	[spmem:s9] =	stream.linear.scatter [tilespmem:s14], [sflag:$0x2], $0x800, $0x38;
	[tilespmem:$0x35A0] =	vst v63  }
0x29: {  	_ =	swait.ge [sflag:s15], $0x800  }
0x2a: {  	[sflag:s15] =	ssyncset.done $0x0  }
0x2b: {  	[sflag:s15] =	ssyncadd.s32 $0xFFFFF800  }
0x2c: {  	s22 =	sadd.s32 $0x0, s13;
	[bflag:$0x0] =	sbarrier.arrive $0xFFFF  }
0x2d: {  	[tilespmem:s4], [sflag:$0x2] =	stream.linear.gather [hbm4b:s22+s4], $0x50, $0x38;
	[tilespmem:$0x35A0] =	vst v63  }
0x2e: {  	_ =	swait.ge [sflag:s15], $0x50  }
0x2f: {  	[sflag:s15] =	ssyncset.done $0x0  }
0x30: {  	s31 =	sadd.s32 $0x0, s12;
	[sflag:s15] =	ssyncadd.s32 $0xFFFFFFB0  }
0x31: {  	[tilespmem:s16], [sflag:$0x2] =	stream.linear.gather [hbm4b:s31+s4], $0x50, $0x38;
	[tilespmem:$0x35A0] =	vst v63  }
0x32: {  	_ =	swait.ge [sflag:s15], $0x50  }
0x33: {  	[sflag:s15] =	ssyncset.done $0x0  }
0x34: {  	[sflag:s15] =	ssyncadd.s32 $0xFFFFFFB0  }
0x35: {  	[tilespmem:s17], [sflag:$0x1] =	stream.indirect.gather [hbm4b:s2+s16], $0x10, s4, s16, $0xb8;
	[tilespmem:$0x35A0] =	vst v63  }
0x36: {  	_ =	swait.ge [sflag:s18], $0x500  }
0x37: {  	[sflag:s18] =	ssyncset.done $0x0  }
0x38: {  	[sflag:s18] =	ssyncadd.s32 $0xFFFFFB00  }
0x39: {  	[spmem:s3] =	stream.indirect.scatter.add.f32 [tilespmem:s17], [sflag:$0x2], $0x10, s16, s16, $0xb8;
	[tilespmem:$0x35A0] =	vst v63  }
0x3a: {  	_ =	swait.ge [sflag:s15], $0x500  }
0x3b: {  	s23 =	simm.s32 $0x14;
	s22 =	simm.s32 $0xA;
	[sflag:s15] =	ssyncset.done $0x0  }
.LBB2_4:
0x3c: {  	s24 =	sadd.s32 s22, s13  }
0x3d: {  	[sflag:s15] =	ssyncadd.s32 $0xFFFFFB00;
	s25 =	smov.u32 s23;
	s26 =	sadd.s32 $0xA, s23  }
0x3e: {  	[tilespmem:s4], [sflag:$0x2] =	stream.linear.gather [hbm4b:s24+s4], $0x50, $0x38;
	[tilespmem:$0x35A0] =	vst v63  }
0x3f: {  	p0 =	sne.s32 s23, $0x4D8;
	_ =	swait.ge [sflag:s15], $0x50  }
0x40: {  	[sflag:s15] =	ssyncset.done $0x0  }
0x41: {  	s23 =	sadd.s32 s22, s12;
	s22 =	smov.u32 s25;
	[sflag:s15] =	ssyncadd.s32 $0xFFFFFFB0  }
0x42: {  	[tilespmem:s16], [sflag:$0x2] =	stream.linear.gather [hbm4b:s23+s4], $0x50, $0x38;
	[tilespmem:$0x35A0] =	vst v63  }
0x43: {  	_ =	swait.ge [sflag:s15], $0x50  }
0x44: {  	[sflag:s15] =	ssyncset.done $0x0  }
0x45: {  	[sflag:s15] =	ssyncadd.s32 $0xFFFFFFB0  }
0x46: {  	[tilespmem:s17], [sflag:$0x1] =	stream.indirect.gather [hbm4b:s2+s16], $0x10, s4, s16, $0xb8;
	[tilespmem:$0x35A0] =	vst v63  }
0x47: {  	_ =	swait.ge [sflag:s18], $0x500  }
.Ltmp1:
0x48: {  	[sflag:s18] =	ssyncset.done $0x0;
	(pc) =	sbr.rel @p0 .LBB2_4-.Ltmp1, $4  }
0x49: {  	[sflag:s18] =	ssyncadd.s32 $0xFFFFFB00  }
0x4a: {  	[spmem:s3] =	stream.indirect.scatter.add.f32 [tilespmem:s17], [sflag:$0x2], $0x10, s16, s16, $0xb8;
	[tilespmem:$0x35A0] =	vst v63  }
0x4b: {  	_ =	swait.ge [sflag:s15], $0x500  }
0x4c: {  	s23 =	smov.u32 s26;
	[sflag:s15] =	ssyncset.done $0x0  }
0x4d: {  	s23 =	sadd.s32 s22, s13;
	[sflag:s15] =	ssyncadd.s32 $0xFFFFFB00  }
0x4e: {  	[tilespmem:s4], [sflag:$0x2] =	stream.linear.gather [hbm4b:s23+s4], $0x50, $0x38;
	[tilespmem:$0x35A0] =	vst v63  }
0x4f: {  	_ =	swait.ge [sflag:s15], $0x50  }
0x50: {  	[sflag:s15] =	ssyncset.done $0x0  }
0x51: {  	s31 =	sadd.s32 s22, s12;
	[sflag:s15] =	ssyncadd.s32 $0xFFFFFFB0  }
0x52: {  	[tilespmem:s16], [sflag:$0x2] =	stream.linear.gather [hbm4b:s31+s4], $0x50, $0x38;
	[tilespmem:$0x35A0] =	vst v63  }
0x53: {  	_ =	swait.ge [sflag:s15], $0x50  }
0x54: {  	[sflag:s15] =	ssyncset.done $0x0  }
0x55: {  	[sflag:s15] =	ssyncadd.s32 $0xFFFFFFB0  }
0x56: {  	[tilespmem:s17], [sflag:$0x1] =	stream.indirect.gather [hbm4b:s2+s16], $0x10, s4, s16, $0xb8;
	[tilespmem:$0x35A0] =	vst v63  }
0x57: {  	_ =	swait.ge [sflag:s18], $0x500  }
0x58: {  	[sflag:s18] =	ssyncset.done $0x0  }
0x59: {  	[sflag:s18] =	ssyncadd.s32 $0xFFFFFB00  }
0x5a: {  	[spmem:s3] =	stream.indirect.scatter.add.f32 [tilespmem:s17], [sflag:$0x2], $0x10, s16, s16, $0xb8;
	[tilespmem:$0x35A0] =	vst v63  }
0x5b: {  	_ =	swait.ge [sflag:s15], $0x500  }
0x5c: {  	s21 =	sadd.s32 $0x1, s21;
	[sflag:s15] =	ssyncset.done $0x0  }
0x5d: {  	p0 =	sne.s32 s21, s11;
	[sflag:s15] =	ssyncadd.s32 $0xFFFFFB00  }
.Ltmp2:
0x5e: {  	[bflag:$0x0] =	sbarrier.arrive $0xFFFF;
	(pc) =	sbr.rel @p0 .LBB2_1-.Ltmp2, $4  }
0x5f: {  	[hbm:s10], [sflag:s19] =	dma.local [spmem:s20], $0x500  }
0x60: {  	_ =	swait.ge [sflag:s15], $0x500  }
0x61: {  	[sflag:s15] =	ssyncset.done $0x0  }
0x62: {  	[sflag:s15] =	ssyncadd.s32 $0xFFFFFB00  }
0x63: {  	_ =	sfence.sel $0x180000  }
0x64: {  	[bflag:$0x0] =	sbarrier.arrive $0xFFFF  }
0x65: {  	p0 =	sne.s32 s0, $0x0;
	_ =	strace $0x9000004D  }
0x66: {  	s0 =	sadd.s32 @!p0 $0x100000, s1;
	[bflag:$0x2] =	sbarrier.arrive $0xFFFF  }
0x67: {  	[sflag:s0] =	ssyncadd.tile.s32 @!p0 $0x1;
	_ =	shalt  }
.Lfunc_end2:
_tile_overlayer_lowered:
.L_overlay_start_2:
0x68: {  	(tag) =	ssettag $0x2  }
0x69: {  	s0 =	rddreg [dreg:$0x0];
	s2 =	stileid.u32  }
0x6a: {  	s1 =	rddreg [dreg:$0x1];
	p0 =	sne.s32 s2, $0x0  }
0x6b: {  	s3 =	rddreg [dreg:$0x2];
	[bflag:$0x3] =	sbarrier.arrive $0xFFFF;
	s2 =	simm.s32 @!p0 $0x1C02  }
0x6c: {  	[timem:s3], [sflag:s2] =	dma.local @!p0 [hbm:s0], s1  }
0x6d: {  	s0 =	simm.s32 @!p0 $0x2  }
0x6e: {  	_ =	swait.ge @!p0 [sflag:s0], s1  }
0x6f: {  	s1 =	ssub.s32 @!p0 $0x0, s1;
	[sflag:s0] =	ssyncset.done @!p0 $0x0  }
0x70: {  	[sflag:s0] =	ssyncadd.s32 @!p0 s1  }
0x71: {  	[bflag:$0x3] =	sbarrier.arrive $0xFFFF  }
0x72: {  	_ =	shalt  }

// kernel: kernel.8.cloned.1.call-start
scs
__scs_entry_jumppad:
0x0: {  	(pc) =	sbr.rel $0x88, $3  }
0x1: {  	(tag) =	ssettag $0x0;
	lr =	simm.s32 $0x1  }
0x2: {  	[smem:$0x3F99] =	sst lr;
	_ =	strace $0xD0000000  }
0x3: {  	_ = 	snop  }
0x4: {  	_ = 	snop  }
0x5: {  	_ = 	snop  }
0x6: {  	_ = 	snop  }
0x7: {  	_ = 	snop  }
__scs_overlays_trampoline_lowered:
0x8: {  	[smem:$0x3FA8] =	sst s0  }
0x9: {  	[smem:$0x3FA9] =	sst s1  }
0xa: {  	[smem:$0x3FAA] =	sst s2  }
0xb: {  	[smem:$0x3FAB] =	sst s3  }
0xc: {  	[smem:$0x3FAC] =	sst s4  }
0xd: {  	[smem:$0x3FAD] =	sst s5  }
0xe: {  	[smem:$0x3FAE] =	sst s6  }
0xf: {  	[smem:$0x3FAF] =	sst s7  }
0x10: {  	[smem:$0x3FB0] =	sst s8  }
0x11: {  	[smem:$0x3FB1] =	sst s9;
	s0 =	simm.s32 @!p0 $0x0  }
0x12: {  	s1 =	sld [smem:$0x3F97];
	s0 =	simm.s32 @p0 $0x1  }
0x13: {  	[smem:$0x3FB2] =	sst s0;
	s0 =	simm.s32 @!p1 $0x0  }
0x14: {  	s2 =	sld [smem:$0x3F96];
	s0 =	simm.s32 @p1 $0x1  }
0x15: {  	[smem:$0x3FB3] =	sst s0;
	s0 =	simm.s32 @!p2 $0x0  }
0x16: {  	s3 =	sld [smem:$0x3FDB];
	s0 =	simm.s32 @p2 $0x1  }
0x17: {  	s4 =	simm.s32 $0x1BF5;
	[smem:$0x3FB5] =	sst s0  }
0x18: {  	s0 =	sld [smem:$0x3F98];
	_ =	swait.ge [sflag:s4], $0x0  }
0x19: {  	s7 =	sld [smem:$0x3F99]  }
0x1a: {  	s8 =	sadd.s32 $0xFFFFE003, lr  }
0x1b: {  	s9 =	sadd.s32 $0xFFFFFEF7, lr;
	s5 =	simm.s32 $0xFFFFFFFF;
	p2 =	slt.u32 s8, $0xFFFFF086  }
0x1c: {  	p1 =	slt.u32 s9, $0xF7A;
	s5 =	simm.s32 @!p2 $0x0  }
0x1d: {  	s5 =	simm.s32 @p1 $0x1;
	p0 =	seq.s32 s7, s2  }
0x1e: {  	s7 =	smul.u32 @!p0 $0xF7A, s2;
	p2 =	seq.s32 @!p0 s5, $0x0  }
0x1f: {  	s9 =	smul.u32 $0xF7A, s1;
	s8 =	simm.s32 @!p0 $0x1BF5;
	p2 =	por !p2, p0  }
0x20: {  	[sflag:s8] =	ssyncset.s32 @!p0 $0xFFFFF086;
	s6 =	sadd.s32 @!p0 s3, s7;
	s7 =	simm.s32 @!p0 $0x108  }
0x21: {  	s3 =	sadd.s32 s3, s9;
	s6 =	sadd.s32 @!p0 $0x88, s6;
	s7 =	simm.s32 @p2 $0x1082  }
0x22: {  	[simem:s7], [sflag:s8] =	dma.local @!p0 [hbm:s6], $0xF7A  }
0x23: {  	s9 =	sor.u32 $0xD0000000, s2;
	s6 =	simm.s32 $0x108;
	_ =	swait.ge @!p0 [sflag:s8], $0x0  }
0x24: {  	s3 =	sadd.s32 $0x88, s3;
	s6 =	simm.s32 @!p1 $0x1082;
	[sflag:s4] =	ssyncset.s32 $0xFFFFF086  }
0x25: {  	[simem:s6], [sflag:s4] =	dma.local [hbm:s3], $0xF7A  }
0x26: {  	[smem:$0x3F99] =	sst s1;
	(tag) =	ssettag s2;
	_ =	strace s9  }
0x27: {  	s1 =	sld [smem:$0x3FA9]  }
0x28: {  	s2 =	sld [smem:$0x3FAA]  }
0x29: {  	s4 =	sld [smem:$0x3FAC]  }
0x2a: {  	p0 =	seq.s32 s5, $0x0;
	s5 =	sld [smem:$0x3FAD]  }
0x2b: {  	s6 =	sld [smem:$0x3FAE]  }
0x2c: {  	s7 =	sld [smem:$0x3FAF]  }
0x2d: {  	s3 =	simm.s32 $0x108;
	s8 =	sld [smem:$0x3FB0]  }
0x2e: {  	s3 =	simm.s32 @!p0 $0x1082;
	s9 =	sld [smem:$0x3FB1]  }
0x2f: {  	lr =	sadd.s32 s0, s3;
	s0 =	sld [smem:$0x3FA8]  }
0x30: {  	s3 =	sld [smem:$0x3FAB]  }
0x31: {  	[smem:$0x3FB4] =	sst s10  }
0x32: {  	s10 =	sld [smem:$0x3FB2];
	_ =	sdelay $0x3  }
0x33: {  	p0 =	seq.s32 s10, $0x1;
	s10 =	sld [smem:$0x3FB4];
	_ =	sdelay $0x3  }
0x34: {  	[smem:$0x3FB4] =	sst s10  }
0x35: {  	s10 =	sld [smem:$0x3FB3];
	_ =	sdelay $0x3  }
0x36: {  	p1 =	seq.s32 s10, $0x1;
	s10 =	sld [smem:$0x3FB4];
	_ =	sdelay $0x3  }
0x37: {  	[smem:$0x3FB4] =	sst s10  }
0x38: {  	s10 =	sld [smem:$0x3FB5]  }
0x39: {  	_ = 	snop;
	(pc) =	sbr.ind lr, $3  }
0x3a: {  	_ = 	snop  }
0x3b: {  	_ = 	snop  }
0x3c: {  	p2 =	seq.s32 s10, $0x1;
	s10 =	sld [smem:$0x3FB4]  }
0x3d: {  	_ =	shalt  }
0x3e: {  	_ =	shalt  }
0x3f: {  	_ =	shalt  }
0x40: {  	_ =	shalt  }
0x41: {  	_ =	shalt  }
0x42: {  	_ =	shalt  }
0x43: {  	_ =	shalt  }
0x44: {  	_ =	shalt  }
0x45: {  	_ =	shalt  }
0x46: {  	_ =	shalt  }
0x47: {  	_ =	shalt  }
0x48: {  	_ =	shalt  }
0x49: {  	_ =	shalt  }
0x4a: {  	_ =	shalt  }
0x4b: {  	_ =	shalt  }
0x4c: {  	_ =	shalt  }
0x4d: {  	_ =	shalt  }
0x4e: {  	_ =	shalt  }
0x4f: {  	_ =	shalt  }
0x50: {  	_ =	shalt  }
0x51: {  	_ =	shalt  }
0x52: {  	_ =	shalt  }
0x53: {  	_ =	shalt  }
0x54: {  	_ =	shalt  }
0x55: {  	_ =	shalt  }
0x56: {  	_ =	shalt  }
0x57: {  	_ =	shalt  }
0x58: {  	_ =	shalt  }
0x59: {  	_ =	shalt  }
0x5a: {  	_ =	shalt  }
0x5b: {  	_ =	shalt  }
0x5c: {  	_ =	shalt  }
0x5d: {  	_ =	shalt  }
0x5e: {  	_ =	shalt  }
0x5f: {  	_ =	shalt  }
0x60: {  	_ =	shalt  }
0x61: {  	_ =	shalt  }
0x62: {  	_ =	shalt  }
0x63: {  	_ =	shalt  }
0x64: {  	_ =	shalt  }
0x65: {  	_ =	shalt  }
0x66: {  	_ =	shalt  }
0x67: {  	_ =	shalt  }
0x68: {  	_ =	shalt  }
0x69: {  	_ =	shalt  }
0x6a: {  	_ =	shalt  }
0x6b: {  	_ =	shalt  }
0x6c: {  	_ =	shalt  }
0x6d: {  	_ =	shalt  }
0x6e: {  	_ =	shalt  }
0x6f: {  	_ =	shalt  }
0x70: {  	_ =	shalt  }
0x71: {  	_ =	shalt  }
0x72: {  	_ =	shalt  }
0x73: {  	_ =	shalt  }
0x74: {  	_ =	shalt  }
0x75: {  	_ =	shalt  }
0x76: {  	_ =	shalt  }
0x77: {  	_ =	shalt  }
0x78: {  	_ =	shalt  }
0x79: {  	_ =	shalt  }
0x7a: {  	_ =	shalt  }
0x7b: {  	_ =	shalt  }
0x7c: {  	_ =	shalt  }
0x7d: {  	_ =	shalt  }
0x7e: {  	_ =	shalt  }
0x7f: {  	_ =	shalt  }
0x80: {  	_ =	shalt  }
0x81: {  	_ =	shalt  }
0x82: {  	_ =	shalt  }
0x83: {  	_ =	shalt  }
0x84: {  	_ =	shalt  }
0x85: {  	_ =	shalt  }
0x86: {  	_ =	shalt  }
0x87: {  	_ =	shalt  }
.Lfunc_end0:
.L_simem_size_0:
called_computation_lowered:
.L_overlay_start_0:
0x88: {  	s2 =	sld [smem:$0x3FD9]  }
0x89: {  	s3 =	sld [smem:$0x3FFE];
	_ =	sdelay $0x1  }
0x8a: {  	s1 =	srdreg.scid  }
0x8b: {  	s0 =	sand.u32 $0x1, s1  }
0x8c: {  	s16 =	sshll.u32 s0, $0xA;
	s2 =	sadd.s32 s3, s2  }
0x8d: {  	s2 =	sadd.s32 s2, s16  }
0x8e: {  	[smem:$0x3FC0] =	sst s2  }
0x8f: {  	_ = 	snop  }
0x90: {  	(tm) =	ssettm $0x1  }
0x91: {  	s17 =	sld [smem:$0x3FFB];
	_ =	sdelay $0x3  }
0x92: {  	_ =	strace s17  }
0x93: {  	s2 =	sld [smem:$0x3FFC];
	_ =	sdelay $0x3  }
0x94: {  	_ =	strace s2  }
0x95: {  	s2 =	sld [smem:$0x3FFD];
	_ =	sdelay $0x3  }
0x96: {  	_ =	strace s2  }
0x97: {  	_ =	strace $0x8FFFFFFF  }
0x98: {  	s18 =	sld [smem:$0x3FDB];
	_ =	sdelay $0x1  }
0x99: {  	s19 =	simm.s32 $_scs_section_size  }
0x9a: {  	s4 =	simm.s32 $_size__tile_overlayer_lowered;
	s5 =	simm.s32 $_tile_overlayer_lowered  }
0x9b: {  	s22 =	simm.s32 $0x1BFF;
	s21 =	sshll.u32 s5, $0x1;
	s2 =	sadd.s32 s19, s18  }
0x9c: {  	s6 =	simm.s32 $0x0;
	s20 =	sshll.u32 s4, $0x1;
	s4 =	sadd.s32 s21, s2  }
0x9d: {  	[timem:s6], [sflag:s22] =	dma.local [hbm:s4], s20  }
0x9e: {  	_ =	swait.ge [sflag:s22], s20  }
0x9f: {  	s3 =	ssub.s32 $0x0, s20;
	[sflag:s22] =	ssyncset.done $0x0  }
0xa0: {  	[sflag:s22] =	ssyncadd.s32 s3;
	_ =	sdelay $0x1  }
0xa1: {  	s23 =	simm.s32 $0x1B8B  }
0xa2: {  	_ =	swait.ge [sflag:s23], $0x1  }
0xa3: {  	[sflag:s23] =	ssyncset.done $0x0  }
0xa4: {  	s25 =	simm.s32 $0x1B8E;
	s24 =	sld [smem:$0x3FFE];
	[sflag:s23] =	ssyncadd.s32 $0xFFFFFFFF  }
0xa5: {  	s26 =	simm.s32 $execute0_lowered;
	[smem:$0x3FD2] =	sst s25  }
0xa6: {  	s4 =	sshll.u32 s26, $0x1;
	_ =	strace $0x80000046;
	[dreg:$0x1] =	wrdreg $0xFFFFFFFF  }
0xa7: {  	s28 =	simm.s32 $_size_execute0_lowered;
	s2 =	sadd.s32 s2, s4;
	[dreg:$0x0] =	wrdreg $0x0  }
0xa8: {  	s4 =	sshll.u32 s28, $0x1;
	[dreg:$0x2] =	wrdreg s2  }
0xa9: {  	[dreg:$0x3] =	wrdreg s4  }
0xaa: {  	[dreg:$0x4] =	wrdreg $0xC0  }
0xab: {  	_ =	task [dreg:s6], $0x5FFFF  }
0xac: {  	[dreg:$0x1] =	wrdreg $0xFFFFFFFF  }
0xad: {  	[dreg:$0x0] =	wrdreg $0x60  }
0xae: {  	[dreg:$0x2] =	wrdreg s24  }
0xaf: {  	[dreg:$0x3] =	wrdreg $0x68800  }
0xb0: {  	[dreg:$0x4] =	wrdreg $0x9  }
0xb1: {  	_ =	task.clear_ibuf [dreg:s6], $0x5FFFF;
	_ =	strace $0x90000046  }
0xb2: {  	s29 =	simm.s32 $0x9;
	_ =	strace $0x80000048  }
0xb3: {  	_ =	swait.ge [sflag:s29], $0x1  }
0xb4: {  	[sflag:s29] =	ssyncadd.s32 $0xFFFFFFFF  }
0xb5: {  	_ =	strace $0x90000048  }
0xb6: {  	_ =	sfence  }
0xb7: {  	s30 =	sld [smem:$0x0];
	_ =	sdelay $0x2  }
0xb8: {  	s31 =	sshll.u32 s1, $0xD;
	s1 =	sshrl.u32 s1, $0x2  }
0xb9: {  	s3 =	sand.u32 $0x4000, s31;
	s1 =	sadd.s32 s1, s30  }
0xba: {  	s0 =	sor.u32 s3, s0;
	s1 =	sshll.u32 s1, $0x11  }
0xbb: {  	s0 =	sor.u32 s1, s0  }
0xbc: {  	s0 =	sadd.s32 $0x8F2B, s0  }
0xbd: {  	[sflag:s0] =	ssyncadd.remote.s32 $0x1  }
0xbe: {  	_ =	sfence.sel $0xFFFF  }
0xbf: {  	[dreg:$0x0] =	wrdreg $0xFFFFFFFF;
	(pc) =	sbr.abs _section_cstart, $3  }
0xc0: {  	[dreg:$0x1] =	wrdreg $0xFFFFFFFF  }
0xc1: {  	_ =	task.clear_ibuf [dreg:s6], $0x2FFFF;
	_ =	strace $0x9FFFFFFF  }
0xc2: {  	(tm) =	ssettm $0x7FFFFFFF  }
0xc3: {  	_ =	shalt  }
tec
execute0_lowered:
.L_overlay_start_1:
0x0: {  	(tag) =	ssettag $0x1  }
0x1: {  	s4 =	rddreg [dreg:$0x0]  }
0x2: {  	s2 =	rddreg [dreg:$0x1]  }
0x3: {  	s0 =	srdreg.scid;
	s1 =	rddreg [dreg:$0x2]  }
0x4: {  	s3 =	simm.s32 $0x0;
	s12 =	simm.s32 $0x2880;
	s5 =	sand.u32 $0x1, s0  }
0x5: {  	s13 =	simm.s32 $0x1;
	s0 =	stileid.u32;
	s6 =	smul.u32 $0x27100, s5  }
0x6: {  	s14 =	simm.s32 $0x50;
	s15 =	simm.s32 $0x80;
	s7 =	smul.u32 $0x2710, s0  }
0x7: {  	s18 =	simm.s32 $0x0;
	[smem:$0x7FF] =	sst s3;
	s8 =	smul.u32 $0x140000, s5  }
0x8: {  	s26 =	smul.u32 $0x14000, s0;
	_ =	strace $0x80000047;
	s5 =	ssub.s32 $0x2, s5  }
0x9: {  	s9 =	smul.u32 $0x50000, s0;
	s16 =	sshll.u32 s0, $0x6;
	s29 =	sshrl.u32 s5, $0x1  }
0xa: {  	s16 =	sor.u32 $0x1C01, s16;
	s6 =	sadd.s32 s7, s6;
	s28 =	sadd.s32 s26, s8  }
0xb: {  	s30 =	sshrl.u32 s9, $0x2;
	s10 =	ssub.s32 s5, s29;
	s6 =	sshrl.u32 s6, $0x3  }
0xc: {  	s10 =	smax.u32 s10, $0x1;
	s11 =	sadd.s32 s6, s4;
	s6 =	sshrl.u32 s28, $0x3  }
0xd: {  	s31 =	sadd.s32 s6, s4;
	s4 =	sadd.s32 s30, s2;
	s11 =	sadd.s32 $0x2600, s11  }
0xe: {  	s5 =	sadd.s32 $0x4000, s4;
	s6 =	sadd.s32 $0x8000, s4;
	s7 =	sadd.s32 $0xC000, s4  }
0xf: {  	v0 =	vimm.f32 $0.0e+00;
	v1 =	vimm.f32 $1.000000000e+00;
	s8 =	sadd.s32 $0x10000, s4;
	s9 =	sadd.s32 $0x16200, s31;
	s17 =	sshrl.u32 s4, $0x3  }
.LBB2_1:
0x10: {  	s19 =	simm.s32 $0x0  }
.LBB2_2:
0x11: {  	p0 =	sne.s32 s19, $0xFE00  }
.Ltmp0:
0x12: {  	_ = 	snop;
	(pc) =	sbr.rel @p0 .LBB2_2-.Ltmp0, $3  }
0x13: {  	_ =	sdelay $0x1  }
0x14: {  	s20 =	sshra.s32 s19, $0x2  }
0x15: {  	s19 =	sadd.s32 $0x200, s19;
	[tilespmem:s20+$0x2880] =	vst v0  }
0x16: {  	s19 =	simm.s32 $0x200;
	s20 =	simm.s32 $0x0  }
.LBB2_4:
0x17: {  	p0 =	sne.s32 s19, $0x9E00;
	[tilespmem:s20+$0x80] =	vst v1;
	s20 =	smov.u32 s19;
	s19 =	sadd.s32 $0x200, s19  }
.Ltmp1:
0x18: {  	(pc) =	sbr.rel @p0 .LBB2_4-.Ltmp1, $2  }
0x19: {  	_ =	sdelay $0x2  }
0x1a: {  	s20 =	sshra.s32 s20, $0x2  }
0x1b: {  	[tilespmem:s20+$0x80] =	vst v1  }
0x1c: {  	[spmem:s4] =	stream.linear.scatter [tilespmem:s12], [sflag:$0x1], $0x4000, $0x38;
	[tilespmem:$0x9080] =	vst v63  }
0x1d: {  	_ =	swait.ge [sflag:s13], $0x4000  }
0x1e: {  	[sflag:s13] =	ssyncset.done $0x0  }
0x1f: {  	[sflag:s13] =	ssyncadd.s32 $0xFFFFC000  }
0x20: {  	[spmem:s5] =	stream.linear.scatter [tilespmem:s12], [sflag:$0x1], $0x4000, $0x38;
	[tilespmem:$0x9080] =	vst v63  }
0x21: {  	_ =	swait.ge [sflag:s13], $0x4000  }
0x22: {  	[sflag:s13] =	ssyncset.done $0x0  }
0x23: {  	[sflag:s13] =	ssyncadd.s32 $0xFFFFC000  }
0x24: {  	[spmem:s6] =	stream.linear.scatter [tilespmem:s12], [sflag:$0x1], $0x4000, $0x38;
	[tilespmem:$0x9080] =	vst v63  }
0x25: {  	_ =	swait.ge [sflag:s13], $0x4000  }
0x26: {  	[sflag:s13] =	ssyncset.done $0x0  }
0x27: {  	[sflag:s13] =	ssyncadd.s32 $0xFFFFC000  }
0x28: {  	[spmem:s7] =	stream.linear.scatter [tilespmem:s12], [sflag:$0x1], $0x4000, $0x38;
	[tilespmem:$0x9080] =	vst v63  }
0x29: {  	_ =	swait.ge [sflag:s13], $0x4000  }
0x2a: {  	[sflag:s13] =	ssyncset.done $0x0  }
0x2b: {  	[sflag:s13] =	ssyncadd.s32 $0xFFFFC000  }
0x2c: {  	[spmem:s8] =	stream.linear.scatter [tilespmem:s12], [sflag:$0x1], $0x4000, $0x38;
	[tilespmem:$0x9080] =	vst v63  }
0x2d: {  	_ =	swait.ge [sflag:s13], $0x4000  }
0x2e: {  	[sflag:s13] =	ssyncset.done $0x0  }
0x2f: {  	[sflag:s13] =	ssyncadd.s32 $0xFFFFC000  }
0x30: {  	s19 =	sadd.s32 $0x0, s11;
	[bflag:$0x0] =	sbarrier.arrive $0xFFFF  }
0x31: {  	[tilespmem:s3], [sflag:$0x1] =	stream.linear.gather [hbm4b:s19+s3], $0x50, $0x38;
	[tilespmem:$0x9080] =	vst v63  }
0x32: {  	_ =	swait.ge [sflag:s13], $0x50  }
0x33: {  	[sflag:s13] =	ssyncset.done $0x0  }
0x34: {  	[sflag:s13] =	ssyncadd.s32 $0xFFFFFFB0  }
0x35: {  	[spmem:s2] =	stream.indirect.scatter.add.f32 [tilespmem:s15], [sflag:$0x1], $0x10, s3, s14, $0xb8;
	[tilespmem:$0x9080] =	vst v63  }
0x36: {  	_ =	swait.ge [sflag:s13], $0x500  }
0x37: {  	s20 =	simm.s32 $0x14;
	s19 =	simm.s32 $0xA;
	[sflag:s13] =	ssyncset.done $0x0  }
.LBB2_6:
0x38: {  	s21 =	sadd.s32 s19, s11  }
0x39: {  	[sflag:s13] =	ssyncadd.s32 $0xFFFFFB00;
	s19 =	smov.u32 s20;
	s22 =	sadd.s32 $0xA, s20  }
0x3a: {  	[tilespmem:s3], [sflag:$0x1] =	stream.linear.gather [hbm4b:s21+s3], $0x50, $0x38;
	[tilespmem:$0x9080] =	vst v63  }
0x3b: {  	p0 =	sne.s32 s20, $0x4D8;
	_ =	swait.ge [sflag:s13], $0x50  }
.Ltmp2:
0x3c: {  	[sflag:s13] =	ssyncset.done $0x0;
	(pc) =	sbr.rel @p0 .LBB2_6-.Ltmp2, $4  }
0x3d: {  	[sflag:s13] =	ssyncadd.s32 $0xFFFFFFB0  }
0x3e: {  	[spmem:s2] =	stream.indirect.scatter.add.f32 [tilespmem:s15], [sflag:$0x1], $0x10, s3, s14, $0xb8;
	[tilespmem:$0x9080] =	vst v63  }
0x3f: {  	_ =	swait.ge [sflag:s13], $0x500  }
0x40: {  	s20 =	smov.u32 s22;
	[sflag:s13] =	ssyncset.done $0x0  }
0x41: {  	s19 =	sadd.s32 s19, s11;
	[sflag:s13] =	ssyncadd.s32 $0xFFFFFB00  }
0x42: {  	[tilespmem:s3], [sflag:$0x1] =	stream.linear.gather [hbm4b:s19+s3], $0x50, $0x38;
	[tilespmem:$0x9080] =	vst v63  }
0x43: {  	_ =	swait.ge [sflag:s13], $0x50  }
0x44: {  	[sflag:s13] =	ssyncset.done $0x0  }
0x45: {  	[sflag:s13] =	ssyncadd.s32 $0xFFFFFFB0  }
0x46: {  	[spmem:s2] =	stream.indirect.scatter.add.f32 [tilespmem:s15], [sflag:$0x1], $0x10, s3, s14, $0xb8;
	[tilespmem:$0x9080] =	vst v63  }
0x47: {  	_ =	swait.ge [sflag:s13], $0x500  }
0x48: {  	s18 =	sadd.s32 $0x1, s18;
	[sflag:s13] =	ssyncset.done $0x0  }
0x49: {  	p0 =	sne.s32 s18, s10;
	[sflag:s13] =	ssyncadd.s32 $0xFFFFFB00  }
.Ltmp3:
0x4a: {  	[bflag:$0x0] =	sbarrier.arrive $0xFFFF;
	(pc) =	sbr.rel @p0 .LBB2_1-.Ltmp3, $4  }
0x4b: {  	[hbm:s9], [sflag:s16] =	dma.local [spmem:s17], $0x2800  }
0x4c: {  	_ =	swait.ge [sflag:s13], $0x2800  }
0x4d: {  	[sflag:s13] =	ssyncset.done $0x0  }
0x4e: {  	[sflag:s13] =	ssyncadd.s32 $0xFFFFD800  }
0x4f: {  	_ =	sfence.sel $0x180000  }
0x50: {  	[bflag:$0x0] =	sbarrier.arrive $0xFFFF  }
0x51: {  	p0 =	sne.s32 s0, $0x0;
	_ =	strace $0x90000047  }
0x52: {  	s0 =	sadd.s32 @!p0 $0x100000, s1;
	[bflag:$0x2] =	sbarrier.arrive $0xFFFF  }
0x53: {  	[sflag:s0] =	ssyncadd.tile.s32 @!p0 $0x1;
	_ =	shalt  }
.Lfunc_end2:
_tile_overlayer_lowered:
.L_overlay_start_2:
0x54: {  	(tag) =	ssettag $0x2  }
0x55: {  	s0 =	rddreg [dreg:$0x0];
	s2 =	stileid.u32  }
0x56: {  	s1 =	rddreg [dreg:$0x1];
	p0 =	sne.s32 s2, $0x0  }
0x57: {  	s3 =	rddreg [dreg:$0x2];
	[bflag:$0x3] =	sbarrier.arrive $0xFFFF;
	s2 =	simm.s32 @!p0 $0x1C01  }
0x58: {  	[timem:s3], [sflag:s2] =	dma.local @!p0 [hbm:s0], s1  }
0x59: {  	s0 =	simm.s32 @!p0 $0x1  }
0x5a: {  	_ =	swait.ge @!p0 [sflag:s0], s1  }
0x5b: {  	s1 =	ssub.s32 @!p0 $0x0, s1;
	[sflag:s0] =	ssyncset.done @!p0 $0x0  }
0x5c: {  	[sflag:s0] =	ssyncadd.s32 @!p0 s1  }
0x5d: {  	[bflag:$0x3] =	sbarrier.arrive $0xFFFF  }
0x5e: {  	_ =	shalt  }

</sc_bundles>
